<compile_context>
chip_gen: v7x
topology: tpu7x:2x2x1
jax: 0.10.2.dev20260603
libtpu: 0.0.44.dev20260713+nightly
codegen_flags: <defaults>
</compile_context>

<pallas_src>
import jax
import jax.numpy as jnp
from jax import lax
from jax.experimental import pallas as pl
from jax.experimental.pallas import tpu as pltpu
from jax.experimental.pallas import tpu_sc as plsc

N_NODES = 10000
N_EDGES = 320000
D_IN = 128
D_HID = 64
D_OUT = 2

NC = 2
NS = 16
NW = NC * NS
CHUNK = 128
EDGES_PER_TILE = N_EDGES // NW
FULL_CHUNKS = EDGES_PER_TILE // CHUNK
TAIL = EDGES_PER_TILE - FULL_CHUNKS * CHUNK
N_PAD = 10112
ROWS_PER_TILE = N_PAD // NS
CW = 16
ROW_BLK = 2000


def _sc_scatter(with_cnt):
    mesh = plsc.VectorSubcoreMesh(core_axis_name="c", subcore_axis_name="s")
    agg_t = jax.ShapeDtypeStruct((NC, N_PAD, D_HID), jnp.float32)
    out_type = [agg_t] if with_cnt else agg_t
    scratch = (
        [pltpu.VMEM((EDGES_PER_TILE,), jnp.int32),
         pltpu.VMEM((EDGES_PER_TILE,), jnp.int32)]
        + [pltpu.VMEM((CHUNK, D_HID), jnp.float32)] * 4
        + [pltpu.VMEM((TAIL, D_HID), jnp.float32),
           pltpu.VMEM_SHARED((N_PAD, D_HID), jnp.float32)]
        + [pltpu.SemaphoreType.DMA] * 8
    )
    if with_cnt:
        out_type.append(jax.ShapeDtypeStruct((NC, N_PAD, CW), jnp.float32))
        scratch += [
            pltpu.VMEM((CHUNK, CW), jnp.float32),
            pltpu.VMEM_SHARED((N_PAD, CW), jnp.float32),
            pltpu.SemaphoreType.DMA,
            pltpu.SemaphoreType.DMA,
        ]

    def body(*refs):
        if with_cnt:
            (p, ei, ones_h, z64, z16, agg_o, cnt_o,
             sv, dv, r0_, r1_, r2_, r3_, rT, acc,
             g0, g1, g2, g3, s0, s1, s2, s3,
             ones_v, cacc, semCA, semCB) = refs
        else:
            (p, ei, z64, agg_o,
             sv, dv, r0_, r1_, r2_, r3_, rT, acc,
             g0, g1, g2, g3, s0, s1, s2, s3) = refs
        rv = [r0_, r1_, r2_, r3_]
        gs = [g0, g1, g2, g3]
        ss = [s0, s1, s2, s3]
        cs = None if not with_cnt else [semCA, semCB]

        cid = lax.axis_index("c")
        sid = lax.axis_index("s")
        wid = cid * NS + sid
        r0 = sid * ROWS_PER_TILE
        base = wid * EDGES_PER_TILE

        pltpu.sync_copy(z64, acc.at[pl.ds(r0, ROWS_PER_TILE)])
        if with_cnt:
            pltpu.sync_copy(z16, cacc.at[pl.ds(r0, ROWS_PER_TILE)])
            pltpu.sync_copy(ones_h, ones_v)
        pltpu.sync_copy(ei.at[0].at[pl.ds(base, EDGES_PER_TILE)], sv)
        pltpu.sync_copy(ei.at[1].at[pl.ds(base, EDGES_PER_TILE)], dv)
        plsc.subcore_barrier()

        def g_start(j, b):
            pltpu.async_copy(p.at[sv.at[pl.ds(j * CHUNK, CHUNK)]],
                             rv[b], gs[b])

        def g_drain(j, b):
            pltpu.make_async_copy(p.at[sv.at[pl.ds(j * CHUNK, CHUNK)]],
                                  rv[b], gs[b]).wait()

        def r_fire(j, b):
            pltpu.async_copy(rv[b], acc.at[dv.at[pl.ds(j * CHUNK, CHUNK)]],
                             ss[b], add=True)

        def r_wait(j, b):
            pltpu.make_async_copy(rv[b],
                                  acc.at[dv.at[pl.ds(j * CHUNK, CHUNK)]],
                                  ss[b]).wait()

        def c_fire(j, m):
            pltpu.async_copy(ones_v, cacc.at[dv.at[pl.ds(j * CHUNK, CHUNK)]],
                             cs[m], add=True)

        def c_wait(j, m):
            pltpu.make_async_copy(
                ones_v, cacc.at[dv.at[pl.ds(j * CHUNK, CHUNK)]], cs[m]).wait()

        tail_ds = pl.ds(FULL_CHUNKS * CHUNK, TAIL)

        g_start(0, 0)
        g_start(1, 1)
        if with_cnt:
            c_fire(0, 0)
            c_fire(1, 1)
        g_drain(0, 0)
        r_fire(0, 0)
        g_start(2, 2)
        g_drain(1, 1)
        r_fire(1, 1)
        g_start(3, 3)

        def step(j, b, m):
            g_drain(j, b)
            r_fire(j, b)
            if with_cnt:
                c_wait(j - 2, m)
                c_fire(j, m)
            r_wait(j - 2, (b + 2) % 4)
            g_start(j + 2, (b + 2) % 4)

        @pl.loop(0, (FULL_CHUNKS - 6) // 4)
        def _(it):
            j0 = 2 + it * 4
            for k in range(4):
                step(j0 + k, (2 + k) % 4, k % 2)

        jE = FULL_CHUNKS - 4
        g_drain(jE, 2)
        r_fire(jE, 2)
        if with_cnt:
            c_wait(jE - 2, 0)
            c_fire(jE, 0)
        r_wait(jE - 2, 0)
        g_start(jE + 2, 0)

        g_drain(jE + 1, 3)
        r_fire(jE + 1, 3)
        if with_cnt:
            c_wait(jE - 1, 1)
            c_fire(jE + 1, 1)
        r_wait(jE - 1, 1)
        g_start(jE + 3, 1)

        g_drain(jE + 2, 0)
        r_fire(jE + 2, 0)
        if with_cnt:
            c_wait(jE, 0)
            c_fire(jE + 2, 0)
        r_wait(jE, 2)
        pltpu.async_copy(p.at[sv.at[tail_ds]], rT, gs[2])

        g_drain(jE + 3, 1)
        r_fire(jE + 3, 1)
        if with_cnt:
            c_wait(jE + 1, 1)
            c_fire(jE + 3, 1)
        r_wait(jE + 1, 3)

        pltpu.make_async_copy(p.at[sv.at[tail_ds]], rT, gs[2]).wait()
        pltpu.sync_copy(rT, acc.at[dv.at[tail_ds]], add=True)
        if with_cnt:
            c_wait(jE + 2, 0)
            c_wait(jE + 3, 1)
            pltpu.sync_copy(ones_v.at[pl.ds(0, TAIL)],
                            cacc.at[dv.at[tail_ds]], add=True)
        r_wait(jE + 2, 0)
        r_wait(jE + 3, 1)

        plsc.subcore_barrier()
        pltpu.sync_copy(acc.at[pl.ds(r0, ROWS_PER_TILE)],
                        agg_o.at[cid].at[pl.ds(r0, ROWS_PER_TILE)])
        if with_cnt:
            pltpu.sync_copy(cacc.at[pl.ds(r0, ROWS_PER_TILE)],
                            cnt_o.at[cid].at[pl.ds(r0, ROWS_PER_TILE)])

    cp = pltpu.CompilerParams(use_tc_tiling_on_sc=False)
    return pl.kernel(body, out_type=out_type, mesh=mesh, scratch_types=scratch,
                     compiler_params=cp)


def _dense2(x, Wl, Wr, b2d):
    def tc_body(x_ref, wl_ref, wr_ref, b_ref, p_ref, q_ref):
        xb = x_ref[...]
        p_ref[...] = jnp.dot(xb, wl_ref[...],
                             preferred_element_type=jnp.float32,
                             precision=lax.Precision.HIGHEST)
        q_ref[...] = jnp.dot(xb, wr_ref[...],
                             preferred_element_type=jnp.float32,
                             precision=lax.Precision.HIGHEST) + b_ref[...]

    return pl.pallas_call(
        tc_body,
        grid=(N_NODES // ROW_BLK,),
        in_specs=[pl.BlockSpec((ROW_BLK, D_IN), lambda i: (i, 0)),
                  pl.BlockSpec((D_IN, D_HID), lambda i: (0, 0)),
                  pl.BlockSpec((D_IN, D_HID), lambda i: (0, 0)),
                  pl.BlockSpec((1, D_HID), lambda i: (0, 0))],
        out_specs=[pl.BlockSpec((ROW_BLK, D_HID), lambda i: (i, 0)),
                   pl.BlockSpec((ROW_BLK, D_HID), lambda i: (i, 0))],
        out_shape=[jax.ShapeDtypeStruct((N_NODES, D_HID), jnp.float32)] * 2,
    )(x, Wl, Wr, b2d)


def _mid(aggp, cntp, Q1, W2l, W2r, b2d):
    def tc_body(a_ref, c_ref, q_ref, wl_ref, wr_ref, b_ref, p_ref, q2_ref):
        a = a_ref[0] + a_ref[1]
        cnt = c_ref[0, :, 0:1] + c_ref[1, :, 0:1]
        inv = 1.0 / jnp.maximum(cnt, 1.0)
        h = jnp.maximum(a * inv + q_ref[...], 0.0)
        p_ref[...] = jnp.dot(h, wl_ref[...],
                             preferred_element_type=jnp.float32,
                             precision=lax.Precision.HIGHEST)
        q2_ref[...] = jnp.dot(h, wr_ref[...],
                              preferred_element_type=jnp.float32,
                              precision=lax.Precision.HIGHEST) + b_ref[...]

    return pl.pallas_call(
        tc_body,
        grid=(N_NODES // ROW_BLK,),
        in_specs=[pl.BlockSpec((NC, ROW_BLK, D_HID), lambda i: (0, i, 0)),
                  pl.BlockSpec((NC, ROW_BLK, CW), lambda i: (0, i, 0)),
                  pl.BlockSpec((ROW_BLK, D_HID), lambda i: (i, 0)),
                  pl.BlockSpec((D_HID, D_HID), lambda i: (0, 0)),
                  pl.BlockSpec((D_HID, D_HID), lambda i: (0, 0)),
                  pl.BlockSpec((1, D_HID), lambda i: (0, 0))],
        out_specs=[pl.BlockSpec((ROW_BLK, D_HID), lambda i: (i, 0)),
                   pl.BlockSpec((ROW_BLK, D_HID), lambda i: (i, 0))],
        out_shape=[jax.ShapeDtypeStruct((N_NODES, D_HID), jnp.float32)] * 2,
    )(aggp, cntp, Q1, W2l, W2r, b2d)


def _final(aggp, cntp, Q2, Wpad, bpad):
    def tc_body(a_ref, c_ref, q_ref, w_ref, b_ref, o_ref):
        a = a_ref[0] + a_ref[1]
        cnt = c_ref[0, :, 0:1] + c_ref[1, :, 0:1]
        inv = 1.0 / jnp.maximum(cnt, 1.0)
        h = jnp.maximum(a * inv + q_ref[...], 0.0)
        o_ref[...] = jnp.dot(h, w_ref[...],
                             preferred_element_type=jnp.float32,
                             precision=lax.Precision.HIGHEST) + b_ref[...]

    return pl.pallas_call(
        tc_body,
        grid=(N_NODES // ROW_BLK,),
        in_specs=[pl.BlockSpec((NC, ROW_BLK, D_HID), lambda i: (0, i, 0)),
                  pl.BlockSpec((NC, ROW_BLK, CW), lambda i: (0, i, 0)),
                  pl.BlockSpec((ROW_BLK, D_HID), lambda i: (i, 0)),
                  pl.BlockSpec((D_HID, 8), lambda i: (0, 0)),
                  pl.BlockSpec((1, 8), lambda i: (0, 0))],
        out_specs=pl.BlockSpec((ROW_BLK, 8), lambda i: (i, 0)),
        out_shape=jax.ShapeDtypeStruct((N_NODES, 8), jnp.float32),
    )(aggp, cntp, Q2, Wpad, bpad)


def kernel(x, edge_index, W1l, b1l, W1r, b1r, W2l, b2l, W2r, b2r, Wlin, blin):
    f32 = jnp.float32
    ei = edge_index.astype(jnp.int32)
    ones = jnp.ones((CHUNK, CW), f32)
    z64 = jnp.zeros((ROWS_PER_TILE, D_HID), f32)
    z16 = jnp.zeros((ROWS_PER_TILE, CW), f32)

    P1, Q1 = _dense2(x, W1l, W1r, (b1l + b1r).reshape(1, -1))
    agg1, cntp = _sc_scatter(True)(P1, ei, ones, z64, z16)
    P2, Q2 = _mid(agg1, cntp, Q1, W2l, W2r, (b2l + b2r).reshape(1, -1))
    agg2 = _sc_scatter(False)(P2, ei, z64)
    Wpad = jnp.pad(Wlin, ((0, 0), (0, 8 - D_OUT)))
    bpad = jnp.pad(blin, (0, 8 - D_OUT)).reshape(1, -1)
    outp = _final(agg2, cntp, Q2, Wpad, bpad)
    return outp[:, :D_OUT]

# --- scband reference (transcript-rebuilt; emitter-appended) ---
"""Pipeline reference for scband-graph-sage-6064493822170 (READ-ONLY COPY).

The authoritative reference and input builder live on the scoring server;
editing this copy changes nothing except your own understanding.
"""

import jax, jax.numpy as jnp
import numpy as np

N_NODES = 10000
N_EDGES = 320000
D_IN = 128
D_HID = 64
D_OUT = 2

def _glorot(key, shape):
    fan_in, fan_out = shape[0], shape[1]
    limit = np.sqrt(6.0 / (fan_in + fan_out))
    return jax.random.uniform(key, shape, dtype=jnp.float32, minval=-limit, maxval=limit)

def setup_inputs(seed: int = 0) -> dict:
    key = jax.random.key(seed)
    ks = jax.random.split(key, 12)
    x = jax.random.normal(ks[0], (N_NODES, D_IN), dtype=jnp.float32)
    edge_index = jax.random.randint(ks[1], (2, N_EDGES), 0, N_NODES, dtype=jnp.int64)
    W1l = _glorot(ks[2], (D_IN, D_HID)); b1l = jnp.zeros((D_HID,), jnp.float32)
    W1r = _glorot(ks[3], (D_IN, D_HID)); b1r = jnp.zeros((D_HID,), jnp.float32)
    W2l = _glorot(ks[4], (D_HID, D_HID)); b2l = jnp.zeros((D_HID,), jnp.float32)
    W2r = _glorot(ks[5], (D_HID, D_HID)); b2r = jnp.zeros((D_HID,), jnp.float32)
    Wlin = _glorot(ks[6], (D_HID, D_OUT)); blin = jnp.zeros((D_OUT,), jnp.float32)
    return {"x": x, "edge_index": edge_index,
            "W1l": W1l, "b1l": b1l, "W1r": W1r, "b1r": b1r,
            "W2l": W2l, "b2l": b2l, "W2r": W2r, "b2r": b2r,
            "Wlin": Wlin, "blin": blin}

def _sage_conv(x, src, dst, Wl, bl, Wr, br):
    # PyG SAGEConv with mean aggregation: out = lin_l(mean_{j in N(i)} x_j) + lin_r(x_i)
    msg = jnp.take(x, src, axis=0)                       # gather source features
    agg = jax.ops.segment_sum(msg, dst, num_segments=N_NODES)
    cnt = jax.ops.segment_sum(jnp.ones((src.shape[0],), jnp.float32), dst, num_segments=N_NODES)
    agg = agg / jnp.maximum(cnt, 1.0)[:, None]
    return agg @ Wl + bl + x @ Wr + br

def reference(x, edge_index, W1l, b1l, W1r, b1r, W2l, b2l, W2r, b2r, Wlin, blin):
    src = edge_index[0]
    dst = edge_index[1]
    h = _sage_conv(x, src, dst, W1l, b1l, W1r, b1r)
    h = jax.nn.relu(h)
    # dropout is identity in eval mode (training=False)
    h = _sage_conv(h, src, dst, W2l, b2l, W2r, b2r)
    h = jax.nn.relu(h)
    out = h @ Wlin + blin
    return out

if __name__ == "__main__":
    import jax
    _d = setup_inputs()
    print(jax.jit(kernel)(*tuple(_d.values())))

</pallas_src>

<mosaic_0001>
#map = affine_map<(d0, d1) -> (0, 0)>
#map1 = affine_map<(d0, d1) -> (0, 0, 0)>
module attributes {stable_mosaic.version = 14 : i64} {
  func.func @body(%arg0: i32, %arg1: i32, %arg2: memref<10000x64xf32, #tpu.memory_space<hbm>>, %arg3: memref<2x320000xi32, #tpu.memory_space<hbm>>, %arg4: memref<128x16xf32, #tpu.memory_space<hbm>>, %arg5: memref<632x64xf32, #tpu.memory_space<hbm>>, %arg6: memref<632x16xf32, #tpu.memory_space<hbm>>, %arg7: memref<2x10112x64xf32, #tpu.memory_space<hbm>>, %arg8: memref<2x10112x16xf32, #tpu.memory_space<hbm>>, %arg9: memref<10000xi32, #tpu.memory_space<vmem>>, %arg10: memref<10000xi32, #tpu.memory_space<vmem>>, %arg11: memref<128x64xf32, #tpu.memory_space<vmem>>, %arg12: memref<128x64xf32, #tpu.memory_space<vmem>>, %arg13: memref<128x64xf32, #tpu.memory_space<vmem>>, %arg14: memref<128x64xf32, #tpu.memory_space<vmem>>, %arg15: memref<16x64xf32, #tpu.memory_space<vmem>>, %arg16: memref<10112x64xf32, #tpu.memory_space<vmem_shared>>, %arg17: memref<!tpu.dma_semaphore, #tpu.memory_space<semaphore_mem>>, %arg18: memref<!tpu.dma_semaphore, #tpu.memory_space<semaphore_mem>>, %arg19: memref<!tpu.dma_semaphore, #tpu.memory_space<semaphore_mem>>, %arg20: memref<!tpu.dma_semaphore, #tpu.memory_space<semaphore_mem>>, %arg21: memref<!tpu.dma_semaphore, #tpu.memory_space<semaphore_mem>>, %arg22: memref<!tpu.dma_semaphore, #tpu.memory_space<semaphore_mem>>, %arg23: memref<!tpu.dma_semaphore, #tpu.memory_space<semaphore_mem>>, %arg24: memref<!tpu.dma_semaphore, #tpu.memory_space<semaphore_mem>>, %arg25: memref<128x16xf32, #tpu.memory_space<vmem>>, %arg26: memref<10112x16xf32, #tpu.memory_space<vmem_shared>>, %arg27: memref<!tpu.dma_semaphore, #tpu.memory_space<semaphore_mem>>, %arg28: memref<!tpu.dma_semaphore, #tpu.memory_space<semaphore_mem>>) attributes {dimension_semantics = [#tpu.dimension_semantics<core_parallel>, #tpu.dimension_semantics<subcore_parallel>], iteration_bounds = array<i64: 2, 16>, scalar_prefetch = 0 : i64, scratch_operands = 20 : i64, tpu.core_type = #tpu.core_type<sc_vector_subcore>, window_params = [{transform_indices = #map}, {transform_indices = #map}, {transform_indices = #map}, {transform_indices = #map}, {transform_indices = #map}, {transform_indices = #map1}, {transform_indices = #map1}]} {
    %mul3A = arith.constant 16 : i32
    %mul3A_0 = arith.muli %arg0, %mul3A : i32
    %add3A = arith.addi %mul3A_0, %arg1 : i32
    %mul3A_1 = arith.constant 632 : i32
    %mul3A_2 = arith.muli %arg1, %mul3A_1 : i32
    %mul3A_3 = arith.constant 10000 : i32
    %mul3A_4 = arith.muli %add3A, %mul3A_3 : i32
    "tpu.region"() ({
      %run_scoped3A_199 = tpu.sem_alloc : memref<!tpu.dma_semaphore, #tpu.memory_space<semaphore_mem>>
      %dma_start3A_200 = arith.constant 0 : i32
      %dma_start3A_201 = tpu.memref_slice %arg16[%mul3A_2, %dma_start3A_200] : memref<10112x64xf32, #tpu.memory_space<vmem_shared>> -> memref<632x64xf32, #tpu.memory_space<vmem_shared>>
      tpu.enqueue_dma source(%arg5 : memref<632x64xf32, #tpu.memory_space<hbm>>) target(%dma_start3A_201 : memref<632x64xf32, #tpu.memory_space<vmem_shared>>) target_semaphore(%run_scoped3A_199 : memref<!tpu.dma_semaphore, #tpu.memory_space<semaphore_mem>>)
      %dma_wait3A_202 = arith.constant 0 : i32
      %dma_wait3A_203 = tpu.memref_slice %arg16[%mul3A_2, %dma_wait3A_202] : memref<10112x64xf32, #tpu.memory_space<vmem_shared>> -> memref<632x64xf32, #tpu.memory_space<vmem_shared>>
      tpu.wait_dma2 semaphore(%run_scoped3A_199 : memref<!tpu.dma_semaphore, #tpu.memory_space<semaphore_mem>>) src(%arg5 : memref<632x64xf32, #tpu.memory_space<hbm>>) dst(%dma_wait3A_203 : memref<632x64xf32, #tpu.memory_space<vmem_shared>>)
      tpu.yield
    }) : () -> ()
    "tpu.region"() ({
      %run_scoped3A_199 = tpu.sem_alloc : memref<!tpu.dma_semaphore, #tpu.memory_space<semaphore_mem>>
      %dma_start3A_200 = arith.constant 0 : i32
      %dma_start3A_201 = tpu.memref_slice %arg26[%mul3A_2, %dma_start3A_200] : memref<10112x16xf32, #tpu.memory_space<vmem_shared>> -> memref<632x16xf32, #tpu.memory_space<vmem_shared>>
      tpu.enqueue_dma source(%arg6 : memref<632x16xf32, #tpu.memory_space<hbm>>) target(%dma_start3A_201 : memref<632x16xf32, #tpu.memory_space<vmem_shared>>) target_semaphore(%run_scoped3A_199 : memref<!tpu.dma_semaphore, #tpu.memory_space<semaphore_mem>>)
      %dma_wait3A_202 = arith.constant 0 : i32
      %dma_wait3A_203 = tpu.memref_slice %arg26[%mul3A_2, %dma_wait3A_202] : memref<10112x16xf32, #tpu.memory_space<vmem_shared>> -> memref<632x16xf32, #tpu.memory_space<vmem_shared>>
      tpu.wait_dma2 semaphore(%run_scoped3A_199 : memref<!tpu.dma_semaphore, #tpu.memory_space<semaphore_mem>>) src(%arg6 : memref<632x16xf32, #tpu.memory_space<hbm>>) dst(%dma_wait3A_203 : memref<632x16xf32, #tpu.memory_space<vmem_shared>>)
      tpu.yield
    }) : () -> ()
    "tpu.region"() ({
      %run_scoped3A_199 = tpu.sem_alloc : memref<!tpu.dma_semaphore, #tpu.memory_space<semaphore_mem>>
      tpu.enqueue_dma source(%arg4 : memref<128x16xf32, #tpu.memory_space<hbm>>) target(%arg25 : memref<128x16xf32, #tpu.memory_space<vmem>>) target_semaphore(%run_scoped3A_199 : memref<!tpu.dma_semaphore, #tpu.memory_space<semaphore_mem>>)
      tpu.wait_dma2 semaphore(%run_scoped3A_199 : memref<!tpu.dma_semaphore, #tpu.memory_space<semaphore_mem>>) src(%arg4 : memref<128x16xf32, #tpu.memory_space<hbm>>) dst(%arg25 : memref<128x16xf32, #tpu.memory_space<vmem>>)
      tpu.yield
    }) : () -> ()
    %run_scoped3A = arith.constant 0 : i32
    "tpu.region"() ({
      %run_scoped3A_199 = tpu.sem_alloc : memref<!tpu.dma_semaphore, #tpu.memory_space<semaphore_mem>>
      %dma_start3A_200 = arith.constant 0 : i32
      %dma_start3A_201 = tpu.memref_slice %arg3[%run_scoped3A, %dma_start3A_200] : memref<2x320000xi32, #tpu.memory_space<hbm>> -> memref<1x320000xi32, #tpu.memory_space<hbm>>
      %dma_start3A_202 = tpu.memref_squeeze %dma_start3A_201 : memref<1x320000xi32, #tpu.memory_space<hbm>> -> memref<320000xi32, #tpu.memory_space<hbm>>
      %dma_start3A_203 = tpu.memref_slice %dma_start3A_202[%mul3A_4] : memref<320000xi32, #tpu.memory_space<hbm>> -> memref<10000xi32, #tpu.memory_space<hbm>>
      %dma_start3A_204 = arith.constant 0 : i32
      %dma_start3A_205 = tpu.memref_slice %arg3[%run_scoped3A, %dma_start3A_204] : memref<2x320000xi32, #tpu.memory_space<hbm>> -> memref<1x320000xi32, #tpu.memory_space<hbm>>
      %dma_start3A_206 = tpu.memref_squeeze %dma_start3A_205 : memref<1x320000xi32, #tpu.memory_space<hbm>> -> memref<320000xi32, #tpu.memory_space<hbm>>
      %dma_start3A_207 = tpu.memref_slice %dma_start3A_206[%mul3A_4] : memref<320000xi32, #tpu.memory_space<hbm>> -> memref<10000xi32, #tpu.memory_space<hbm>>
      tpu.enqueue_dma source(%dma_start3A_207 : memref<10000xi32, #tpu.memory_space<hbm>>) target(%arg9 : memref<10000xi32, #tpu.memory_space<vmem>>) target_semaphore(%run_scoped3A_199 : memref<!tpu.dma_semaphore, #tpu.memory_space<semaphore_mem>>)
      %dma_wait3A_208 = arith.constant 0 : i32
      %dma_wait3A_209 = tpu.memref_slice %arg3[%run_scoped3A, %dma_wait3A_208] : memref<2x320000xi32, #tpu.memory_space<hbm>> -> memref<1x320000xi32, #tpu.memory_space<hbm>>
      %dma_wait3A_210 = tpu.memref_squeeze %dma_wait3A_209 : memref<1x320000xi32, #tpu.memory_space<hbm>> -> memref<320000xi32, #tpu.memory_space<hbm>>
      %dma_wait3A_211 = tpu.memref_slice %dma_wait3A_210[%mul3A_4] : memref<320000xi32, #tpu.memory_space<hbm>> -> memref<10000xi32, #tpu.memory_space<hbm>>
      %dma_wait3A_212 = arith.constant 0 : i32
      %dma_wait3A_213 = tpu.memref_slice %arg3[%run_scoped3A, %dma_wait3A_212] : memref<2x320000xi32, #tpu.memory_space<hbm>> -> memref<1x320000xi32, #tpu.memory_space<hbm>>
      %dma_wait3A_214 = tpu.memref_squeeze %dma_wait3A_213 : memref<1x320000xi32, #tpu.memory_space<hbm>> -> memref<320000xi32, #tpu.memory_space<hbm>>
      %dma_wait3A_215 = tpu.memref_slice %dma_wait3A_214[%mul3A_4] : memref<320000xi32, #tpu.memory_space<hbm>> -> memref<10000xi32, #tpu.memory_space<hbm>>
      tpu.wait_dma2 semaphore(%run_scoped3A_199 : memref<!tpu.dma_semaphore, #tpu.memory_space<semaphore_mem>>) src(%dma_wait3A_215 : memref<10000xi32, #tpu.memory_space<hbm>>) dst(%arg9 : memref<10000xi32, #tpu.memory_space<vmem>>)
      tpu.yield
    }) : () -> ()
    %run_scoped3A_5 = arith.constant 1 : i32
    "tpu.region"() ({
      %run_scoped3A_199 = tpu.sem_alloc : memref<!tpu.dma_semaphore, #tpu.memory_space<semaphore_mem>>
      %dma_start3A_200 = arith.constant 0 : i32
      %dma_start3A_201 = tpu.memref_slice %arg3[%run_scoped3A_5, %dma_start3A_200] : memref<2x320000xi32, #tpu.memory_space<hbm>> -> memref<1x320000xi32, #tpu.memory_space<hbm>>
      %dma_start3A_202 = tpu.memref_squeeze %dma_start3A_201 : memref<1x320000xi32, #tpu.memory_space<hbm>> -> memref<320000xi32, #tpu.memory_space<hbm>>
      %dma_start3A_203 = tpu.memref_slice %dma_start3A_202[%mul3A_4] : memref<320000xi32, #tpu.memory_space<hbm>> -> memref<10000xi32, #tpu.memory_space<hbm>>
      %dma_start3A_204 = arith.constant 0 : i32
      %dma_start3A_205 = tpu.memref_slice %arg3[%run_scoped3A_5, %dma_start3A_204] : memref<2x320000xi32, #tpu.memory_space<hbm>> -> memref<1x320000xi32, #tpu.memory_space<hbm>>
      %dma_start3A_206 = tpu.memref_squeeze %dma_start3A_205 : memref<1x320000xi32, #tpu.memory_space<hbm>> -> memref<320000xi32, #tpu.memory_space<hbm>>
      %dma_start3A_207 = tpu.memref_slice %dma_start3A_206[%mul3A_4] : memref<320000xi32, #tpu.memory_space<hbm>> -> memref<10000xi32, #tpu.memory_space<hbm>>
      tpu.enqueue_dma source(%dma_start3A_207 : memref<10000xi32, #tpu.memory_space<hbm>>) target(%arg10 : memref<10000xi32, #tpu.memory_space<vmem>>) target_semaphore(%run_scoped3A_199 : memref<!tpu.dma_semaphore, #tpu.memory_space<semaphore_mem>>)
      %dma_wait3A_208 = arith.constant 0 : i32
      %dma_wait3A_209 = tpu.memref_slice %arg3[%run_scoped3A_5, %dma_wait3A_208] : memref<2x320000xi32, #tpu.memory_space<hbm>> -> memref<1x320000xi32, #tpu.memory_space<hbm>>
      %dma_wait3A_210 = tpu.memref_squeeze %dma_wait3A_209 : memref<1x320000xi32, #tpu.memory_space<hbm>> -> memref<320000xi32, #tpu.memory_space<hbm>>
      %dma_wait3A_211 = tpu.memref_slice %dma_wait3A_210[%mul3A_4] : memref<320000xi32, #tpu.memory_space<hbm>> -> memref<10000xi32, #tpu.memory_space<hbm>>
      %dma_wait3A_212 = arith.constant 0 : i32
      %dma_wait3A_213 = tpu.memref_slice %arg3[%run_scoped3A_5, %dma_wait3A_212] : memref<2x320000xi32, #tpu.memory_space<hbm>> -> memref<1x320000xi32, #tpu.memory_space<hbm>>
      %dma_wait3A_214 = tpu.memref_squeeze %dma_wait3A_213 : memref<1x320000xi32, #tpu.memory_space<hbm>> -> memref<320000xi32, #tpu.memory_space<hbm>>
      %dma_wait3A_215 = tpu.memref_slice %dma_wait3A_214[%mul3A_4] : memref<320000xi32, #tpu.memory_space<hbm>> -> memref<10000xi32, #tpu.memory_space<hbm>>
      tpu.wait_dma2 semaphore(%run_scoped3A_199 : memref<!tpu.dma_semaphore, #tpu.memory_space<semaphore_mem>>) src(%dma_wait3A_215 : memref<10000xi32, #tpu.memory_space<hbm>>) dst(%arg10 : memref<10000xi32, #tpu.memory_space<vmem>>)
      tpu.yield
    }) : () -> ()
    %barrier3A = arith.constant 0 : index
    tpu.barrier barrier_id(%barrier3A)
    %dma_start3A = arith.constant 0 : i32
    %dma_start3A_6 = tpu.memref_slice %arg9[%dma_start3A] : memref<10000xi32, #tpu.memory_space<vmem>> -> memref<128xi32, #tpu.memory_space<vmem>>
    %dma_start3A_7 = arith.constant 0 : i32
    %dma_start3A_8 = arith.constant 0 : i32
    %dma_start3A_9 = tpu.memref_slice %arg2[%dma_start3A_7, %dma_start3A_8] : memref<10000x64xf32, #tpu.memory_space<hbm>> -> memref<10000x64xf32, #tpu.memory_space<hbm>>
    tpu.enqueue_indirect_dma source(%dma_start3A_9 : memref<10000x64xf32, #tpu.memory_space<hbm>>) target(%arg11 : memref<128x64xf32, #tpu.memory_space<vmem>>) offsets(%dma_start3A_6 : memref<128xi32, #tpu.memory_space<vmem>>) semaphore(%arg17 : memref<!tpu.dma_semaphore, #tpu.memory_space<semaphore_mem>>)
    %dma_start3A_10 = arith.constant 128 : i32
    %dma_start3A_11 = tpu.memref_slice %arg9[%dma_start3A_10] : memref<10000xi32, #tpu.memory_space<vmem>> -> memref<128xi32, #tpu.memory_space<vmem>>
    %dma_start3A_12 = arith.constant 0 : i32
    %dma_start3A_13 = arith.constant 0 : i32
    %dma_start3A_14 = tpu.memref_slice %arg2[%dma_start3A_12, %dma_start3A_13] : memref<10000x64xf32, #tpu.memory_space<hbm>> -> memref<10000x64xf32, #tpu.memory_space<hbm>>
    tpu.enqueue_indirect_dma source(%dma_start3A_14 : memref<10000x64xf32, #tpu.memory_space<hbm>>) target(%arg12 : memref<128x64xf32, #tpu.memory_space<vmem>>) offsets(%dma_start3A_11 : memref<128xi32, #tpu.memory_space<vmem>>) semaphore(%arg18 : memref<!tpu.dma_semaphore, #tpu.memory_space<semaphore_mem>>)
    %dma_start3A_15 = arith.constant 0 : i32
    %dma_start3A_16 = tpu.memref_slice %arg10[%dma_start3A_15] : memref<10000xi32, #tpu.memory_space<vmem>> -> memref<128xi32, #tpu.memory_space<vmem>>
    %dma_start3A_17 = arith.constant 0 : i32
    %dma_start3A_18 = arith.constant 0 : i32
    %dma_start3A_19 = tpu.memref_slice %arg26[%dma_start3A_17, %dma_start3A_18] : memref<10112x16xf32, #tpu.memory_space<vmem_shared>> -> memref<10112x16xf32, #tpu.memory_space<vmem_shared>>
    tpu.enqueue_indirect_dma source(%arg25 : memref<128x16xf32, #tpu.memory_space<vmem>>) target(%dma_start3A_19 : memref<10112x16xf32, #tpu.memory_space<vmem_shared>>) offsets(%dma_start3A_16 : memref<128xi32, #tpu.memory_space<vmem>>) semaphore(%arg27 : memref<!tpu.dma_semaphore, #tpu.memory_space<semaphore_mem>>) {add = true}
    %dma_start3A_20 = arith.constant 128 : i32
    %dma_start3A_21 = tpu.memref_slice %arg10[%dma_start3A_20] : memref<10000xi32, #tpu.memory_space<vmem>> -> memref<128xi32, #tpu.memory_space<vmem>>
    %dma_start3A_22 = arith.constant 0 : i32
    %dma_start3A_23 = arith.constant 0 : i32
    %dma_start3A_24 = tpu.memref_slice %arg26[%dma_start3A_22, %dma_start3A_23] : memref<10112x16xf32, #tpu.memory_space<vmem_shared>> -> memref<10112x16xf32, #tpu.memory_space<vmem_shared>>
    tpu.enqueue_indirect_dma source(%arg25 : memref<128x16xf32, #tpu.memory_space<vmem>>) target(%dma_start3A_24 : memref<10112x16xf32, #tpu.memory_space<vmem_shared>>) offsets(%dma_start3A_21 : memref<128xi32, #tpu.memory_space<vmem>>) semaphore(%arg28 : memref<!tpu.dma_semaphore, #tpu.memory_space<semaphore_mem>>) {add = true}
    %dma_wait3A = arith.constant 0 : i32
    %dma_wait3A_25 = tpu.memref_slice %arg9[%dma_wait3A] : memref<10000xi32, #tpu.memory_space<vmem>> -> memref<128xi32, #tpu.memory_space<vmem>>
    %dma_wait3A_26 = arith.constant 0 : i32
    %dma_wait3A_27 = arith.constant 0 : i32
    %dma_wait3A_28 = tpu.memref_slice %arg2[%dma_wait3A_26, %dma_wait3A_27] : memref<10000x64xf32, #tpu.memory_space<hbm>> -> memref<10000x64xf32, #tpu.memory_space<hbm>>
    tpu.wait_indirect_dma semaphore(%arg17 : memref<!tpu.dma_semaphore, #tpu.memory_space<semaphore_mem>>) src(%dma_wait3A_28 : memref<10000x64xf32, #tpu.memory_space<hbm>>) dst(%arg11 : memref<128x64xf32, #tpu.memory_space<vmem>>)
    %dma_start3A_29 = arith.constant 0 : i32
    %dma_start3A_30 = tpu.memref_slice %arg10[%dma_start3A_29] : memref<10000xi32, #tpu.memory_space<vmem>> -> memref<128xi32, #tpu.memory_space<vmem>>
    %dma_start3A_31 = arith.constant 0 : i32
    %dma_start3A_32 = arith.constant 0 : i32
    %dma_start3A_33 = tpu.memref_slice %arg16[%dma_start3A_31, %dma_start3A_32] : memref<10112x64xf32, #tpu.memory_space<vmem_shared>> -> memref<10112x64xf32, #tpu.memory_space<vmem_shared>>
    tpu.enqueue_indirect_dma source(%arg11 : memref<128x64xf32, #tpu.memory_space<vmem>>) target(%dma_start3A_33 : memref<10112x64xf32, #tpu.memory_space<vmem_shared>>) offsets(%dma_start3A_30 : memref<128xi32, #tpu.memory_space<vmem>>) semaphore(%arg21 : memref<!tpu.dma_semaphore, #tpu.memory_space<semaphore_mem>>) {add = true}
    %dma_start3A_34 = arith.constant 256 : i32
    %dma_start3A_35 = tpu.memref_slice %arg9[%dma_start3A_34] : memref<10000xi32, #tpu.memory_space<vmem>> -> memref<128xi32, #tpu.memory_space<vmem>>
    %dma_start3A_36 = arith.constant 0 : i32
    %dma_start3A_37 = arith.constant 0 : i32
    %dma_start3A_38 = tpu.memref_slice %arg2[%dma_start3A_36, %dma_start3A_37] : memref<10000x64xf32, #tpu.memory_space<hbm>> -> memref<10000x64xf32, #tpu.memory_space<hbm>>
    tpu.enqueue_indirect_dma source(%dma_start3A_38 : memref<10000x64xf32, #tpu.memory_space<hbm>>) target(%arg13 : memref<128x64xf32, #tpu.memory_space<vmem>>) offsets(%dma_start3A_35 : memref<128xi32, #tpu.memory_space<vmem>>) semaphore(%arg19 : memref<!tpu.dma_semaphore, #tpu.memory_space<semaphore_mem>>)
    %dma_wait3A_39 = arith.constant 128 : i32
    %dma_wait3A_40 = tpu.memref_slice %arg9[%dma_wait3A_39] : memref<10000xi32, #tpu.memory_space<vmem>> -> memref<128xi32, #tpu.memory_space<vmem>>
    %dma_wait3A_41 = arith.constant 0 : i32
    %dma_wait3A_42 = arith.constant 0 : i32
    %dma_wait3A_43 = tpu.memref_slice %arg2[%dma_wait3A_41, %dma_wait3A_42] : memref<10000x64xf32, #tpu.memory_space<hbm>> -> memref<10000x64xf32, #tpu.memory_space<hbm>>
    tpu.wait_indirect_dma semaphore(%arg18 : memref<!tpu.dma_semaphore, #tpu.memory_space<semaphore_mem>>) src(%dma_wait3A_43 : memref<10000x64xf32, #tpu.memory_space<hbm>>) dst(%arg12 : memref<128x64xf32, #tpu.memory_space<vmem>>)
    %dma_start3A_44 = arith.constant 128 : i32
    %dma_start3A_45 = tpu.memref_slice %arg10[%dma_start3A_44] : memref<10000xi32, #tpu.memory_space<vmem>> -> memref<128xi32, #tpu.memory_space<vmem>>
    %dma_start3A_46 = arith.constant 0 : i32
    %dma_start3A_47 = arith.constant 0 : i32
    %dma_start3A_48 = tpu.memref_slice %arg16[%dma_start3A_46, %dma_start3A_47] : memref<10112x64xf32, #tpu.memory_space<vmem_shared>> -> memref<10112x64xf32, #tpu.memory_space<vmem_shared>>
    tpu.enqueue_indirect_dma source(%arg12 : memref<128x64xf32, #tpu.memory_space<vmem>>) target(%dma_start3A_48 : memref<10112x64xf32, #tpu.memory_space<vmem_shared>>) offsets(%dma_start3A_45 : memref<128xi32, #tpu.memory_space<vmem>>) semaphore(%arg22 : memref<!tpu.dma_semaphore, #tpu.memory_space<semaphore_mem>>) {add = true}
    %dma_start3A_49 = arith.constant 384 : i32
    %dma_start3A_50 = tpu.memref_slice %arg9[%dma_start3A_49] : memref<10000xi32, #tpu.memory_space<vmem>> -> memref<128xi32, #tpu.memory_space<vmem>>
    %dma_start3A_51 = arith.constant 0 : i32
    %dma_start3A_52 = arith.constant 0 : i32
    %dma_start3A_53 = tpu.memref_slice %arg2[%dma_start3A_51, %dma_start3A_52] : memref<10000x64xf32, #tpu.memory_space<hbm>> -> memref<10000x64xf32, #tpu.memory_space<hbm>>
    tpu.enqueue_indirect_dma source(%dma_start3A_53 : memref<10000x64xf32, #tpu.memory_space<hbm>>) target(%arg14 : memref<128x64xf32, #tpu.memory_space<vmem>>) offsets(%dma_start3A_50 : memref<128xi32, #tpu.memory_space<vmem>>) semaphore(%arg20 : memref<!tpu.dma_semaphore, #tpu.memory_space<semaphore_mem>>)
    %scan3A = arith.constant 0 : i32
    %scan3A_54 = arith.constant 18 : i32
    %scan3A_55 = arith.addi %scan3A, %scan3A_54 : i32
    %scan3A_56 = arith.constant 1 : i32
    scf.for %scan3A_199 = %scan3A to %scan3A_55 step %scan3A_56  : i32 {
      %mul3A_200 = arith.constant 1 : i32
      %mul3A_201 = arith.muli %scan3A_199, %mul3A_200 : i32
      %add3A_202 = arith.constant 0 : i32
      %add3A_203 = arith.addi %add3A_202, %mul3A_201 : i32
      %mul3A_204 = arith.constant 4 : i32
      %mul3A_205 = arith.muli %add3A_203, %mul3A_204 : i32
      %add3A_206 = arith.constant 2 : i32
      %add3A_207 = arith.addi %add3A_206, %mul3A_205 : i32
      %add3A_208 = arith.constant 0 : i32
      %add3A_209 = arith.addi %add3A_207, %add3A_208 : i32
      %mul3A_210 = arith.constant 128 : i32
      %mul3A_211 = arith.muli %add3A_209, %mul3A_210 : i32
      %dma_wait3A_212 = tpu.memref_slice %arg9[%mul3A_211] : memref<10000xi32, #tpu.memory_space<vmem>> -> memref<128xi32, #tpu.memory_space<vmem>>
      %dma_wait3A_213 = arith.constant 0 : i32
      %dma_wait3A_214 = arith.constant 0 : i32
      %dma_wait3A_215 = tpu.memref_slice %arg2[%dma_wait3A_213, %dma_wait3A_214] : memref<10000x64xf32, #tpu.memory_space<hbm>> -> memref<10000x64xf32, #tpu.memory_space<hbm>>
      tpu.wait_indirect_dma semaphore(%arg19 : memref<!tpu.dma_semaphore, #tpu.memory_space<semaphore_mem>>) src(%dma_wait3A_215 : memref<10000x64xf32, #tpu.memory_space<hbm>>) dst(%arg13 : memref<128x64xf32, #tpu.memory_space<vmem>>)
      %mul3A_216 = arith.constant 128 : i32
      %mul3A_217 = arith.muli %add3A_209, %mul3A_216 : i32
      %dma_start3A_218 = tpu.memref_slice %arg10[%mul3A_217] : memref<10000xi32, #tpu.memory_space<vmem>> -> memref<128xi32, #tpu.memory_space<vmem>>
      %dma_start3A_219 = arith.constant 0 : i32
      %dma_start3A_220 = arith.constant 0 : i32
      %dma_start3A_221 = tpu.memref_slice %arg16[%dma_start3A_219, %dma_start3A_220] : memref<10112x64xf32, #tpu.memory_space<vmem_shared>> -> memref<10112x64xf32, #tpu.memory_space<vmem_shared>>
      tpu.enqueue_indirect_dma source(%arg13 : memref<128x64xf32, #tpu.memory_space<vmem>>) target(%dma_start3A_221 : memref<10112x64xf32, #tpu.memory_space<vmem_shared>>) offsets(%dma_start3A_218 : memref<128xi32, #tpu.memory_space<vmem>>) semaphore(%arg23 : memref<!tpu.dma_semaphore, #tpu.memory_space<semaphore_mem>>) {add = true}
      %sub3A = arith.constant 2 : i32
      %sub3A_222 = arith.subi %add3A_209, %sub3A : i32
      %mul3A_223 = arith.constant 128 : i32
      %mul3A_224 = arith.muli %sub3A_222, %mul3A_223 : i32
      %dma_wait3A_225 = tpu.memref_slice %arg10[%mul3A_224] : memref<10000xi32, #tpu.memory_space<vmem>> -> memref<128xi32, #tpu.memory_space<vmem>>
      %dma_wait3A_226 = arith.constant 0 : i32
      %dma_wait3A_227 = arith.constant 0 : i32
      %dma_wait3A_228 = tpu.memref_slice %arg26[%dma_wait3A_226, %dma_wait3A_227] : memref<10112x16xf32, #tpu.memory_space<vmem_shared>> -> memref<10112x16xf32, #tpu.memory_space<vmem_shared>>
      tpu.wait_indirect_dma semaphore(%arg27 : memref<!tpu.dma_semaphore, #tpu.memory_space<semaphore_mem>>) src(%arg25 : memref<128x16xf32, #tpu.memory_space<vmem>>) dst(%dma_wait3A_228 : memref<10112x16xf32, #tpu.memory_space<vmem_shared>>)
      %mul3A_229 = arith.constant 128 : i32
      %mul3A_230 = arith.muli %add3A_209, %mul3A_229 : i32
      %dma_start3A_231 = tpu.memref_slice %arg10[%mul3A_230] : memref<10000xi32, #tpu.memory_space<vmem>> -> memref<128xi32, #tpu.memory_space<vmem>>
      %dma_start3A_232 = arith.constant 0 : i32
      %dma_start3A_233 = arith.constant 0 : i32
      %dma_start3A_234 = tpu.memref_slice %arg26[%dma_start3A_232, %dma_start3A_233] : memref<10112x16xf32, #tpu.memory_space<vmem_shared>> -> memref<10112x16xf32, #tpu.memory_space<vmem_shared>>
      tpu.enqueue_indirect_dma source(%arg25 : memref<128x16xf32, #tpu.memory_space<vmem>>) target(%dma_start3A_234 : memref<10112x16xf32, #tpu.memory_space<vmem_shared>>) offsets(%dma_start3A_231 : memref<128xi32, #tpu.memory_space<vmem>>) semaphore(%arg27 : memref<!tpu.dma_semaphore, #tpu.memory_space<semaphore_mem>>) {add = true}
      %sub3A_235 = arith.constant 2 : i32
      %sub3A_236 = arith.subi %add3A_209, %sub3A_235 : i32
      %mul3A_237 = arith.constant 128 : i32
      %mul3A_238 = arith.muli %sub3A_236, %mul3A_237 : i32
      %dma_wait3A_239 = tpu.memref_slice %arg10[%mul3A_238] : memref<10000xi32, #tpu.memory_space<vmem>> -> memref<128xi32, #tpu.memory_space<vmem>>
      %dma_wait3A_240 = arith.constant 0 : i32
      %dma_wait3A_241 = arith.constant 0 : i32
      %dma_wait3A_242 = tpu.memref_slice %arg16[%dma_wait3A_240, %dma_wait3A_241] : memref<10112x64xf32, #tpu.memory_space<vmem_shared>> -> memref<10112x64xf32, #tpu.memory_space<vmem_shared>>
      tpu.wait_indirect_dma semaphore(%arg21 : memref<!tpu.dma_semaphore, #tpu.memory_space<semaphore_mem>>) src(%arg11 : memref<128x64xf32, #tpu.memory_space<vmem>>) dst(%dma_wait3A_242 : memref<10112x64xf32, #tpu.memory_space<vmem_shared>>)
      %add3A_243 = arith.constant 2 : i32
      %add3A_244 = arith.addi %add3A_209, %add3A_243 : i32
      %mul3A_245 = arith.constant 128 : i32
      %mul3A_246 = arith.muli %add3A_244, %mul3A_245 : i32
      %dma_start3A_247 = tpu.memref_slice %arg9[%mul3A_246] : memref<10000xi32, #tpu.memory_space<vmem>> -> memref<128xi32, #tpu.memory_space<vmem>>
      %dma_start3A_248 = arith.constant 0 : i32
      %dma_start3A_249 = arith.constant 0 : i32
      %dma_start3A_250 = tpu.memref_slice %arg2[%dma_start3A_248, %dma_start3A_249] : memref<10000x64xf32, #tpu.memory_space<hbm>> -> memref<10000x64xf32, #tpu.memory_space<hbm>>
      tpu.enqueue_indirect_dma source(%dma_start3A_250 : memref<10000x64xf32, #tpu.memory_space<hbm>>) target(%arg11 : memref<128x64xf32, #tpu.memory_space<vmem>>) offsets(%dma_start3A_247 : memref<128xi32, #tpu.memory_space<vmem>>) semaphore(%arg17 : memref<!tpu.dma_semaphore, #tpu.memory_space<semaphore_mem>>)
      %add3A_251 = arith.constant 1 : i32
      %add3A_252 = arith.addi %add3A_207, %add3A_251 : i32
      %mul3A_253 = arith.constant 128 : i32
      %mul3A_254 = arith.muli %add3A_252, %mul3A_253 : i32
      %dma_wait3A_255 = tpu.memref_slice %arg9[%mul3A_254] : memref<10000xi32, #tpu.memory_space<vmem>> -> memref<128xi32, #tpu.memory_space<vmem>>
      %dma_wait3A_256 = arith.constant 0 : i32
      %dma_wait3A_257 = arith.constant 0 : i32
      %dma_wait3A_258 = tpu.memref_slice %arg2[%dma_wait3A_256, %dma_wait3A_257] : memref<10000x64xf32, #tpu.memory_space<hbm>> -> memref<10000x64xf32, #tpu.memory_space<hbm>>
      tpu.wait_indirect_dma semaphore(%arg20 : memref<!tpu.dma_semaphore, #tpu.memory_space<semaphore_mem>>) src(%dma_wait3A_258 : memref<10000x64xf32, #tpu.memory_space<hbm>>) dst(%arg14 : memref<128x64xf32, #tpu.memory_space<vmem>>)
      %mul3A_259 = arith.constant 128 : i32
      %mul3A_260 = arith.muli %add3A_252, %mul3A_259 : i32
      %dma_start3A_261 = tpu.memref_slice %arg10[%mul3A_260] : memref<10000xi32, #tpu.memory_space<vmem>> -> memref<128xi32, #tpu.memory_space<vmem>>
      %dma_start3A_262 = arith.constant 0 : i32
      %dma_start3A_263 = arith.constant 0 : i32
      %dma_start3A_264 = tpu.memref_slice %arg16[%dma_start3A_262, %dma_start3A_263] : memref<10112x64xf32, #tpu.memory_space<vmem_shared>> -> memref<10112x64xf32, #tpu.memory_space<vmem_shared>>
      tpu.enqueue_indirect_dma source(%arg14 : memref<128x64xf32, #tpu.memory_space<vmem>>) target(%dma_start3A_264 : memref<10112x64xf32, #tpu.memory_space<vmem_shared>>) offsets(%dma_start3A_261 : memref<128xi32, #tpu.memory_space<vmem>>) semaphore(%arg24 : memref<!tpu.dma_semaphore, #tpu.memory_space<semaphore_mem>>) {add = true}
      %sub3A_265 = arith.constant 2 : i32
      %sub3A_266 = arith.subi %add3A_252, %sub3A_265 : i32
      %mul3A_267 = arith.constant 128 : i32
      %mul3A_268 = arith.muli %sub3A_266, %mul3A_267 : i32
      %dma_wait3A_269 = tpu.memref_slice %arg10[%mul3A_268] : memref<10000xi32, #tpu.memory_space<vmem>> -> memref<128xi32, #tpu.memory_space<vmem>>
      %dma_wait3A_270 = arith.constant 0 : i32
      %dma_wait3A_271 = arith.constant 0 : i32
      %dma_wait3A_272 = tpu.memref_slice %arg26[%dma_wait3A_270, %dma_wait3A_271] : memref<10112x16xf32, #tpu.memory_space<vmem_shared>> -> memref<10112x16xf32, #tpu.memory_space<vmem_shared>>
      tpu.wait_indirect_dma semaphore(%arg28 : memref<!tpu.dma_semaphore, #tpu.memory_space<semaphore_mem>>) src(%arg25 : memref<128x16xf32, #tpu.memory_space<vmem>>) dst(%dma_wait3A_272 : memref<10112x16xf32, #tpu.memory_space<vmem_shared>>)
      %mul3A_273 = arith.constant 128 : i32
      %mul3A_274 = arith.muli %add3A_252, %mul3A_273 : i32
      %dma_start3A_275 = tpu.memref_slice %arg10[%mul3A_274] : memref<10000xi32, #tpu.memory_space<vmem>> -> memref<128xi32, #tpu.memory_space<vmem>>
      %dma_start3A_276 = arith.constant 0 : i32
      %dma_start3A_277 = arith.constant 0 : i32
      %dma_start3A_278 = tpu.memref_slice %arg26[%dma_start3A_276, %dma_start3A_277] : memref<10112x16xf32, #tpu.memory_space<vmem_shared>> -> memref<10112x16xf32, #tpu.memory_space<vmem_shared>>
      tpu.enqueue_indirect_dma source(%arg25 : memref<128x16xf32, #tpu.memory_space<vmem>>) target(%dma_start3A_278 : memref<10112x16xf32, #tpu.memory_space<vmem_shared>>) offsets(%dma_start3A_275 : memref<128xi32, #tpu.memory_space<vmem>>) semaphore(%arg28 : memref<!tpu.dma_semaphore, #tpu.memory_space<semaphore_mem>>) {add = true}
      %sub3A_279 = arith.constant 2 : i32
      %sub3A_280 = arith.subi %add3A_252, %sub3A_279 : i32
      %mul3A_281 = arith.constant 128 : i32
      %mul3A_282 = arith.muli %sub3A_280, %mul3A_281 : i32
      %dma_wait3A_283 = tpu.memref_slice %arg10[%mul3A_282] : memref<10000xi32, #tpu.memory_space<vmem>> -> memref<128xi32, #tpu.memory_space<vmem>>
      %dma_wait3A_284 = arith.constant 0 : i32
      %dma_wait3A_285 = arith.constant 0 : i32
      %dma_wait3A_286 = tpu.memref_slice %arg16[%dma_wait3A_284, %dma_wait3A_285] : memref<10112x64xf32, #tpu.memory_space<vmem_shared>> -> memref<10112x64xf32, #tpu.memory_space<vmem_shared>>
      tpu.wait_indirect_dma semaphore(%arg22 : memref<!tpu.dma_semaphore, #tpu.memory_space<semaphore_mem>>) src(%arg12 : memref<128x64xf32, #tpu.memory_space<vmem>>) dst(%dma_wait3A_286 : memref<10112x64xf32, #tpu.memory_space<vmem_shared>>)
      %add3A_287 = arith.constant 2 : i32
      %add3A_288 = arith.addi %add3A_252, %add3A_287 : i32
      %mul3A_289 = arith.constant 128 : i32
      %mul3A_290 = arith.muli %add3A_288, %mul3A_289 : i32
      %dma_start3A_291 = tpu.memref_slice %arg9[%mul3A_290] : memref<10000xi32, #tpu.memory_space<vmem>> -> memref<128xi32, #tpu.memory_space<vmem>>
      %dma_start3A_292 = arith.constant 0 : i32
      %dma_start3A_293 = arith.constant 0 : i32
      %dma_start3A_294 = tpu.memref_slice %arg2[%dma_start3A_292, %dma_start3A_293] : memref<10000x64xf32, #tpu.memory_space<hbm>> -> memref<10000x64xf32, #tpu.memory_space<hbm>>
      tpu.enqueue_indirect_dma source(%dma_start3A_294 : memref<10000x64xf32, #tpu.memory_space<hbm>>) target(%arg12 : memref<128x64xf32, #tpu.memory_space<vmem>>) offsets(%dma_start3A_291 : memref<128xi32, #tpu.memory_space<vmem>>) semaphore(%arg18 : memref<!tpu.dma_semaphore, #tpu.memory_space<semaphore_mem>>)
      %add3A_295 = arith.constant 2 : i32
      %add3A_296 = arith.addi %add3A_207, %add3A_295 : i32
      %mul3A_297 = arith.constant 128 : i32
      %mul3A_298 = arith.muli %add3A_296, %mul3A_297 : i32
      %dma_wait3A_299 = tpu.memref_slice %arg9[%mul3A_298] : memref<10000xi32, #tpu.memory_space<vmem>> -> memref<128xi32, #tpu.memory_space<vmem>>
      %dma_wait3A_300 = arith.constant 0 : i32
      %dma_wait3A_301 = arith.constant 0 : i32
      %dma_wait3A_302 = tpu.memref_slice %arg2[%dma_wait3A_300, %dma_wait3A_301] : memref<10000x64xf32, #tpu.memory_space<hbm>> -> memref<10000x64xf32, #tpu.memory_space<hbm>>
      tpu.wait_indirect_dma semaphore(%arg17 : memref<!tpu.dma_semaphore, #tpu.memory_space<semaphore_mem>>) src(%dma_wait3A_302 : memref<10000x64xf32, #tpu.memory_space<hbm>>) dst(%arg11 : memref<128x64xf32, #tpu.memory_space<vmem>>)
      %mul3A_303 = arith.constant 128 : i32
      %mul3A_304 = arith.muli %add3A_296, %mul3A_303 : i32
      %dma_start3A_305 = tpu.memref_slice %arg10[%mul3A_304] : memref<10000xi32, #tpu.memory_space<vmem>> -> memref<128xi32, #tpu.memory_space<vmem>>
      %dma_start3A_306 = arith.constant 0 : i32
      %dma_start3A_307 = arith.constant 0 : i32
      %dma_start3A_308 = tpu.memref_slice %arg16[%dma_start3A_306, %dma_start3A_307] : memref<10112x64xf32, #tpu.memory_space<vmem_shared>> -> memref<10112x64xf32, #tpu.memory_space<vmem_shared>>
      tpu.enqueue_indirect_dma source(%arg11 : memref<128x64xf32, #tpu.memory_space<vmem>>) target(%dma_start3A_308 : memref<10112x64xf32, #tpu.memory_space<vmem_shared>>) offsets(%dma_start3A_305 : memref<128xi32, #tpu.memory_space<vmem>>) semaphore(%arg21 : memref<!tpu.dma_semaphore, #tpu.memory_space<semaphore_mem>>) {add = true}
      %sub3A_309 = arith.constant 2 : i32
      %sub3A_310 = arith.subi %add3A_296, %sub3A_309 : i32
      %mul3A_311 = arith.constant 128 : i32
      %mul3A_312 = arith.muli %sub3A_310, %mul3A_311 : i32
      %dma_wait3A_313 = tpu.memref_slice %arg10[%mul3A_312] : memref<10000xi32, #tpu.memory_space<vmem>> -> memref<128xi32, #tpu.memory_space<vmem>>
      %dma_wait3A_314 = arith.constant 0 : i32
      %dma_wait3A_315 = arith.constant 0 : i32
      %dma_wait3A_316 = tpu.memref_slice %arg26[%dma_wait3A_314, %dma_wait3A_315] : memref<10112x16xf32, #tpu.memory_space<vmem_shared>> -> memref<10112x16xf32, #tpu.memory_space<vmem_shared>>
      tpu.wait_indirect_dma semaphore(%arg27 : memref<!tpu.dma_semaphore, #tpu.memory_space<semaphore_mem>>) src(%arg25 : memref<128x16xf32, #tpu.memory_space<vmem>>) dst(%dma_wait3A_316 : memref<10112x16xf32, #tpu.memory_space<vmem_shared>>)
      %mul3A_317 = arith.constant 128 : i32
      %mul3A_318 = arith.muli %add3A_296, %mul3A_317 : i32
      %dma_start3A_319 = tpu.memref_slice %arg10[%mul3A_318] : memref<10000xi32, #tpu.memory_space<vmem>> -> memref<128xi32, #tpu.memory_space<vmem>>
      %dma_start3A_320 = arith.constant 0 : i32
      %dma_start3A_321 = arith.constant 0 : i32
      %dma_start3A_322 = tpu.memref_slice %arg26[%dma_start3A_320, %dma_start3A_321] : memref<10112x16xf32, #tpu.memory_space<vmem_shared>> -> memref<10112x16xf32, #tpu.memory_space<vmem_shared>>
      tpu.enqueue_indirect_dma source(%arg25 : memref<128x16xf32, #tpu.memory_space<vmem>>) target(%dma_start3A_322 : memref<10112x16xf32, #tpu.memory_space<vmem_shared>>) offsets(%dma_start3A_319 : memref<128xi32, #tpu.memory_space<vmem>>) semaphore(%arg27 : memref<!tpu.dma_semaphore, #tpu.memory_space<semaphore_mem>>) {add = true}
      %sub3A_323 = arith.constant 2 : i32
      %sub3A_324 = arith.subi %add3A_296, %sub3A_323 : i32
      %mul3A_325 = arith.constant 128 : i32
      %mul3A_326 = arith.muli %sub3A_324, %mul3A_325 : i32
      %dma_wait3A_327 = tpu.memref_slice %arg10[%mul3A_326] : memref<10000xi32, #tpu.memory_space<vmem>> -> memref<128xi32, #tpu.memory_space<vmem>>
      %dma_wait3A_328 = arith.constant 0 : i32
      %dma_wait3A_329 = arith.constant 0 : i32
      %dma_wait3A_330 = tpu.memref_slice %arg16[%dma_wait3A_328, %dma_wait3A_329] : memref<10112x64xf32, #tpu.memory_space<vmem_shared>> -> memref<10112x64xf32, #tpu.memory_space<vmem_shared>>
      tpu.wait_indirect_dma semaphore(%arg23 : memref<!tpu.dma_semaphore, #tpu.memory_space<semaphore_mem>>) src(%arg13 : memref<128x64xf32, #tpu.memory_space<vmem>>) dst(%dma_wait3A_330 : memref<10112x64xf32, #tpu.memory_space<vmem_shared>>)
      %add3A_331 = arith.constant 2 : i32
      %add3A_332 = arith.addi %add3A_296, %add3A_331 : i32
      %mul3A_333 = arith.constant 128 : i32
      %mul3A_334 = arith.muli %add3A_332, %mul3A_333 : i32
      %dma_start3A_335 = tpu.memref_slice %arg9[%mul3A_334] : memref<10000xi32, #tpu.memory_space<vmem>> -> memref<128xi32, #tpu.memory_space<vmem>>
      %dma_start3A_336 = arith.constant 0 : i32
      %dma_start3A_337 = arith.constant 0 : i32
      %dma_start3A_338 = tpu.memref_slice %arg2[%dma_start3A_336, %dma_start3A_337] : memref<10000x64xf32, #tpu.memory_space<hbm>> -> memref<10000x64xf32, #tpu.memory_space<hbm>>
      tpu.enqueue_indirect_dma source(%dma_start3A_338 : memref<10000x64xf32, #tpu.memory_space<hbm>>) target(%arg13 : memref<128x64xf32, #tpu.memory_space<vmem>>) offsets(%dma_start3A_335 : memref<128xi32, #tpu.memory_space<vmem>>) semaphore(%arg19 : memref<!tpu.dma_semaphore, #tpu.memory_space<semaphore_mem>>)
      %add3A_339 = arith.constant 3 : i32
      %add3A_340 = arith.addi %add3A_207, %add3A_339 : i32
      %mul3A_341 = arith.constant 128 : i32
      %mul3A_342 = arith.muli %add3A_340, %mul3A_341 : i32
      %dma_wait3A_343 = tpu.memref_slice %arg9[%mul3A_342] : memref<10000xi32, #tpu.memory_space<vmem>> -> memref<128xi32, #tpu.memory_space<vmem>>
      %dma_wait3A_344 = arith.constant 0 : i32
      %dma_wait3A_345 = arith.constant 0 : i32
      %dma_wait3A_346 = tpu.memref_slice %arg2[%dma_wait3A_344, %dma_wait3A_345] : memref<10000x64xf32, #tpu.memory_space<hbm>> -> memref<10000x64xf32, #tpu.memory_space<hbm>>
      tpu.wait_indirect_dma semaphore(%arg18 : memref<!tpu.dma_semaphore, #tpu.memory_space<semaphore_mem>>) src(%dma_wait3A_346 : memref<10000x64xf32, #tpu.memory_space<hbm>>) dst(%arg12 : memref<128x64xf32, #tpu.memory_space<vmem>>)
      %mul3A_347 = arith.constant 128 : i32
      %mul3A_348 = arith.muli %add3A_340, %mul3A_347 : i32
      %dma_start3A_349 = tpu.memref_slice %arg10[%mul3A_348] : memref<10000xi32, #tpu.memory_space<vmem>> -> memref<128xi32, #tpu.memory_space<vmem>>
      %dma_start3A_350 = arith.constant 0 : i32
      %dma_start3A_351 = arith.constant 0 : i32
      %dma_start3A_352 = tpu.memref_slice %arg16[%dma_start3A_350, %dma_start3A_351] : memref<10112x64xf32, #tpu.memory_space<vmem_shared>> -> memref<10112x64xf32, #tpu.memory_space<vmem_shared>>
      tpu.enqueue_indirect_dma source(%arg12 : memref<128x64xf32, #tpu.memory_space<vmem>>) target(%dma_start3A_352 : memref<10112x64xf32, #tpu.memory_space<vmem_shared>>) offsets(%dma_start3A_349 : memref<128xi32, #tpu.memory_space<vmem>>) semaphore(%arg22 : memref<!tpu.dma_semaphore, #tpu.memory_space<semaphore_mem>>) {add = true}
      %sub3A_353 = arith.constant 2 : i32
      %sub3A_354 = arith.subi %add3A_340, %sub3A_353 : i32
      %mul3A_355 = arith.constant 128 : i32
      %mul3A_356 = arith.muli %sub3A_354, %mul3A_355 : i32
      %dma_wait3A_357 = tpu.memref_slice %arg10[%mul3A_356] : memref<10000xi32, #tpu.memory_space<vmem>> -> memref<128xi32, #tpu.memory_space<vmem>>
      %dma_wait3A_358 = arith.constant 0 : i32
      %dma_wait3A_359 = arith.constant 0 : i32
      %dma_wait3A_360 = tpu.memref_slice %arg26[%dma_wait3A_358, %dma_wait3A_359] : memref<10112x16xf32, #tpu.memory_space<vmem_shared>> -> memref<10112x16xf32, #tpu.memory_space<vmem_shared>>
      tpu.wait_indirect_dma semaphore(%arg28 : memref<!tpu.dma_semaphore, #tpu.memory_space<semaphore_mem>>) src(%arg25 : memref<128x16xf32, #tpu.memory_space<vmem>>) dst(%dma_wait3A_360 : memref<10112x16xf32, #tpu.memory_space<vmem_shared>>)
      %mul3A_361 = arith.constant 128 : i32
      %mul3A_362 = arith.muli %add3A_340, %mul3A_361 : i32
      %dma_start3A_363 = tpu.memref_slice %arg10[%mul3A_362] : memref<10000xi32, #tpu.memory_space<vmem>> -> memref<128xi32, #tpu.memory_space<vmem>>
      %dma_start3A_364 = arith.constant 0 : i32
      %dma_start3A_365 = arith.constant 0 : i32
      %dma_start3A_366 = tpu.memref_slice %arg26[%dma_start3A_364, %dma_start3A_365] : memref<10112x16xf32, #tpu.memory_space<vmem_shared>> -> memref<10112x16xf32, #tpu.memory_space<vmem_shared>>
      tpu.enqueue_indirect_dma source(%arg25 : memref<128x16xf32, #tpu.memory_space<vmem>>) target(%dma_start3A_366 : memref<10112x16xf32, #tpu.memory_space<vmem_shared>>) offsets(%dma_start3A_363 : memref<128xi32, #tpu.memory_space<vmem>>) semaphore(%arg28 : memref<!tpu.dma_semaphore, #tpu.memory_space<semaphore_mem>>) {add = true}
      %sub3A_367 = arith.constant 2 : i32
      %sub3A_368 = arith.subi %add3A_340, %sub3A_367 : i32
      %mul3A_369 = arith.constant 128 : i32
      %mul3A_370 = arith.muli %sub3A_368, %mul3A_369 : i32
      %dma_wait3A_371 = tpu.memref_slice %arg10[%mul3A_370] : memref<10000xi32, #tpu.memory_space<vmem>> -> memref<128xi32, #tpu.memory_space<vmem>>
      %dma_wait3A_372 = arith.constant 0 : i32
      %dma_wait3A_373 = arith.constant 0 : i32
      %dma_wait3A_374 = tpu.memref_slice %arg16[%dma_wait3A_372, %dma_wait3A_373] : memref<10112x64xf32, #tpu.memory_space<vmem_shared>> -> memref<10112x64xf32, #tpu.memory_space<vmem_shared>>
      tpu.wait_indirect_dma semaphore(%arg24 : memref<!tpu.dma_semaphore, #tpu.memory_space<semaphore_mem>>) src(%arg14 : memref<128x64xf32, #tpu.memory_space<vmem>>) dst(%dma_wait3A_374 : memref<10112x64xf32, #tpu.memory_space<vmem_shared>>)
      %add3A_375 = arith.constant 2 : i32
      %add3A_376 = arith.addi %add3A_340, %add3A_375 : i32
      %mul3A_377 = arith.constant 128 : i32
      %mul3A_378 = arith.muli %add3A_376, %mul3A_377 : i32
      %dma_start3A_379 = tpu.memref_slice %arg9[%mul3A_378] : memref<10000xi32, #tpu.memory_space<vmem>> -> memref<128xi32, #tpu.memory_space<vmem>>
      %dma_start3A_380 = arith.constant 0 : i32
      %dma_start3A_381 = arith.constant 0 : i32
      %dma_start3A_382 = tpu.memref_slice %arg2[%dma_start3A_380, %dma_start3A_381] : memref<10000x64xf32, #tpu.memory_space<hbm>> -> memref<10000x64xf32, #tpu.memory_space<hbm>>
      tpu.enqueue_indirect_dma source(%dma_start3A_382 : memref<10000x64xf32, #tpu.memory_space<hbm>>) target(%arg14 : memref<128x64xf32, #tpu.memory_space<vmem>>) offsets(%dma_start3A_379 : memref<128xi32, #tpu.memory_space<vmem>>) semaphore(%arg20 : memref<!tpu.dma_semaphore, #tpu.memory_space<semaphore_mem>>)
    }
    %scan3A_57 = arith.constant 18 : i32
    %dma_wait3A_58 = arith.constant 9472 : i32
    %dma_wait3A_59 = tpu.memref_slice %arg9[%dma_wait3A_58] : memref<10000xi32, #tpu.memory_space<vmem>> -> memref<128xi32, #tpu.memory_space<vmem>>
    %dma_wait3A_60 = arith.constant 0 : i32
    %dma_wait3A_61 = arith.constant 0 : i32
    %dma_wait3A_62 = tpu.memref_slice %arg2[%dma_wait3A_60, %dma_wait3A_61] : memref<10000x64xf32, #tpu.memory_space<hbm>> -> memref<10000x64xf32, #tpu.memory_space<hbm>>
    tpu.wait_indirect_dma semaphore(%arg19 : memref<!tpu.dma_semaphore, #tpu.memory_space<semaphore_mem>>) src(%dma_wait3A_62 : memref<10000x64xf32, #tpu.memory_space<hbm>>) dst(%arg13 : memref<128x64xf32, #tpu.memory_space<vmem>>)
    %dma_start3A_63 = arith.constant 9472 : i32
    %dma_start3A_64 = tpu.memref_slice %arg10[%dma_start3A_63] : memref<10000xi32, #tpu.memory_space<vmem>> -> memref<128xi32, #tpu.memory_space<vmem>>
    %dma_start3A_65 = arith.constant 0 : i32
    %dma_start3A_66 = arith.constant 0 : i32
    %dma_start3A_67 = tpu.memref_slice %arg16[%dma_start3A_65, %dma_start3A_66] : memref<10112x64xf32, #tpu.memory_space<vmem_shared>> -> memref<10112x64xf32, #tpu.memory_space<vmem_shared>>
    tpu.enqueue_indirect_dma source(%arg13 : memref<128x64xf32, #tpu.memory_space<vmem>>) target(%dma_start3A_67 : memref<10112x64xf32, #tpu.memory_space<vmem_shared>>) offsets(%dma_start3A_64 : memref<128xi32, #tpu.memory_space<vmem>>) semaphore(%arg23 : memref<!tpu.dma_semaphore, #tpu.memory_space<semaphore_mem>>) {add = true}
    %dma_wait3A_68 = arith.constant 9216 : i32
    %dma_wait3A_69 = tpu.memref_slice %arg10[%dma_wait3A_68] : memref<10000xi32, #tpu.memory_space<vmem>> -> memref<128xi32, #tpu.memory_space<vmem>>
    %dma_wait3A_70 = arith.constant 0 : i32
    %dma_wait3A_71 = arith.constant 0 : i32
    %dma_wait3A_72 = tpu.memref_slice %arg26[%dma_wait3A_70, %dma_wait3A_71] : memref<10112x16xf32, #tpu.memory_space<vmem_shared>> -> memref<10112x16xf32, #tpu.memory_space<vmem_shared>>
    tpu.wait_indirect_dma semaphore(%arg27 : memref<!tpu.dma_semaphore, #tpu.memory_space<semaphore_mem>>) src(%arg25 : memref<128x16xf32, #tpu.memory_space<vmem>>) dst(%dma_wait3A_72 : memref<10112x16xf32, #tpu.memory_space<vmem_shared>>)
    %dma_start3A_73 = arith.constant 9472 : i32
    %dma_start3A_74 = tpu.memref_slice %arg10[%dma_start3A_73] : memref<10000xi32, #tpu.memory_space<vmem>> -> memref<128xi32, #tpu.memory_space<vmem>>
    %dma_start3A_75 = arith.constant 0 : i32
    %dma_start3A_76 = arith.constant 0 : i32
    %dma_start3A_77 = tpu.memref_slice %arg26[%dma_start3A_75, %dma_start3A_76] : memref<10112x16xf32, #tpu.memory_space<vmem_shared>> -> memref<10112x16xf32, #tpu.memory_space<vmem_shared>>
    tpu.enqueue_indirect_dma source(%arg25 : memref<128x16xf32, #tpu.memory_space<vmem>>) target(%dma_start3A_77 : memref<10112x16xf32, #tpu.memory_space<vmem_shared>>) offsets(%dma_start3A_74 : memref<128xi32, #tpu.memory_space<vmem>>) semaphore(%arg27 : memref<!tpu.dma_semaphore, #tpu.memory_space<semaphore_mem>>) {add = true}
    %dma_wait3A_78 = arith.constant 9216 : i32
    %dma_wait3A_79 = tpu.memref_slice %arg10[%dma_wait3A_78] : memref<10000xi32, #tpu.memory_space<vmem>> -> memref<128xi32, #tpu.memory_space<vmem>>
    %dma_wait3A_80 = arith.constant 0 : i32
    %dma_wait3A_81 = arith.constant 0 : i32
    %dma_wait3A_82 = tpu.memref_slice %arg16[%dma_wait3A_80, %dma_wait3A_81] : memref<10112x64xf32, #tpu.memory_space<vmem_shared>> -> memref<10112x64xf32, #tpu.memory_space<vmem_shared>>
    tpu.wait_indirect_dma semaphore(%arg21 : memref<!tpu.dma_semaphore, #tpu.memory_space<semaphore_mem>>) src(%arg11 : memref<128x64xf32, #tpu.memory_space<vmem>>) dst(%dma_wait3A_82 : memref<10112x64xf32, #tpu.memory_space<vmem_shared>>)
    %dma_start3A_83 = arith.constant 9728 : i32
    %dma_start3A_84 = tpu.memref_slice %arg9[%dma_start3A_83] : memref<10000xi32, #tpu.memory_space<vmem>> -> memref<128xi32, #tpu.memory_space<vmem>>
    %dma_start3A_85 = arith.constant 0 : i32
    %dma_start3A_86 = arith.constant 0 : i32
    %dma_start3A_87 = tpu.memref_slice %arg2[%dma_start3A_85, %dma_start3A_86] : memref<10000x64xf32, #tpu.memory_space<hbm>> -> memref<10000x64xf32, #tpu.memory_space<hbm>>
    tpu.enqueue_indirect_dma source(%dma_start3A_87 : memref<10000x64xf32, #tpu.memory_space<hbm>>) target(%arg11 : memref<128x64xf32, #tpu.memory_space<vmem>>) offsets(%dma_start3A_84 : memref<128xi32, #tpu.memory_space<vmem>>) semaphore(%arg17 : memref<!tpu.dma_semaphore, #tpu.memory_space<semaphore_mem>>)
    %dma_wait3A_88 = arith.constant 9600 : i32
    %dma_wait3A_89 = tpu.memref_slice %arg9[%dma_wait3A_88] : memref<10000xi32, #tpu.memory_space<vmem>> -> memref<128xi32, #tpu.memory_space<vmem>>
    %dma_wait3A_90 = arith.constant 0 : i32
    %dma_wait3A_91 = arith.constant 0 : i32
    %dma_wait3A_92 = tpu.memref_slice %arg2[%dma_wait3A_90, %dma_wait3A_91] : memref<10000x64xf32, #tpu.memory_space<hbm>> -> memref<10000x64xf32, #tpu.memory_space<hbm>>
    tpu.wait_indirect_dma semaphore(%arg20 : memref<!tpu.dma_semaphore, #tpu.memory_space<semaphore_mem>>) src(%dma_wait3A_92 : memref<10000x64xf32, #tpu.memory_space<hbm>>) dst(%arg14 : memref<128x64xf32, #tpu.memory_space<vmem>>)
    %dma_start3A_93 = arith.constant 9600 : i32
    %dma_start3A_94 = tpu.memref_slice %arg10[%dma_start3A_93] : memref<10000xi32, #tpu.memory_space<vmem>> -> memref<128xi32, #tpu.memory_space<vmem>>
    %dma_start3A_95 = arith.constant 0 : i32
    %dma_start3A_96 = arith.constant 0 : i32
    %dma_start3A_97 = tpu.memref_slice %arg16[%dma_start3A_95, %dma_start3A_96] : memref<10112x64xf32, #tpu.memory_space<vmem_shared>> -> memref<10112x64xf32, #tpu.memory_space<vmem_shared>>
    tpu.enqueue_indirect_dma source(%arg14 : memref<128x64xf32, #tpu.memory_space<vmem>>) target(%dma_start3A_97 : memref<10112x64xf32, #tpu.memory_space<vmem_shared>>) offsets(%dma_start3A_94 : memref<128xi32, #tpu.memory_space<vmem>>) semaphore(%arg24 : memref<!tpu.dma_semaphore, #tpu.memory_space<semaphore_mem>>) {add = true}
    %dma_wait3A_98 = arith.constant 9344 : i32
    %dma_wait3A_99 = tpu.memref_slice %arg10[%dma_wait3A_98] : memref<10000xi32, #tpu.memory_space<vmem>> -> memref<128xi32, #tpu.memory_space<vmem>>
    %dma_wait3A_100 = arith.constant 0 : i32
    %dma_wait3A_101 = arith.constant 0 : i32
    %dma_wait3A_102 = tpu.memref_slice %arg26[%dma_wait3A_100, %dma_wait3A_101] : memref<10112x16xf32, #tpu.memory_space<vmem_shared>> -> memref<10112x16xf32, #tpu.memory_space<vmem_shared>>
    tpu.wait_indirect_dma semaphore(%arg28 : memref<!tpu.dma_semaphore, #tpu.memory_space<semaphore_mem>>) src(%arg25 : memref<128x16xf32, #tpu.memory_space<vmem>>) dst(%dma_wait3A_102 : memref<10112x16xf32, #tpu.memory_space<vmem_shared>>)
    %dma_start3A_103 = arith.constant 9600 : i32
    %dma_start3A_104 = tpu.memref_slice %arg10[%dma_start3A_103] : memref<10000xi32, #tpu.memory_space<vmem>> -> memref<128xi32, #tpu.memory_space<vmem>>
    %dma_start3A_105 = arith.constant 0 : i32
    %dma_start3A_106 = arith.constant 0 : i32
    %dma_start3A_107 = tpu.memref_slice %arg26[%dma_start3A_105, %dma_start3A_106] : memref<10112x16xf32, #tpu.memory_space<vmem_shared>> -> memref<10112x16xf32, #tpu.memory_space<vmem_shared>>
    tpu.enqueue_indirect_dma source(%arg25 : memref<128x16xf32, #tpu.memory_space<vmem>>) target(%dma_start3A_107 : memref<10112x16xf32, #tpu.memory_space<vmem_shared>>) offsets(%dma_start3A_104 : memref<128xi32, #tpu.memory_space<vmem>>) semaphore(%arg28 : memref<!tpu.dma_semaphore, #tpu.memory_space<semaphore_mem>>) {add = true}
    %dma_wait3A_108 = arith.constant 9344 : i32
    %dma_wait3A_109 = tpu.memref_slice %arg10[%dma_wait3A_108] : memref<10000xi32, #tpu.memory_space<vmem>> -> memref<128xi32, #tpu.memory_space<vmem>>
    %dma_wait3A_110 = arith.constant 0 : i32
    %dma_wait3A_111 = arith.constant 0 : i32
    %dma_wait3A_112 = tpu.memref_slice %arg16[%dma_wait3A_110, %dma_wait3A_111] : memref<10112x64xf32, #tpu.memory_space<vmem_shared>> -> memref<10112x64xf32, #tpu.memory_space<vmem_shared>>
    tpu.wait_indirect_dma semaphore(%arg22 : memref<!tpu.dma_semaphore, #tpu.memory_space<semaphore_mem>>) src(%arg12 : memref<128x64xf32, #tpu.memory_space<vmem>>) dst(%dma_wait3A_112 : memref<10112x64xf32, #tpu.memory_space<vmem_shared>>)
    %dma_start3A_113 = arith.constant 9856 : i32
    %dma_start3A_114 = tpu.memref_slice %arg9[%dma_start3A_113] : memref<10000xi32, #tpu.memory_space<vmem>> -> memref<128xi32, #tpu.memory_space<vmem>>
    %dma_start3A_115 = arith.constant 0 : i32
    %dma_start3A_116 = arith.constant 0 : i32
    %dma_start3A_117 = tpu.memref_slice %arg2[%dma_start3A_115, %dma_start3A_116] : memref<10000x64xf32, #tpu.memory_space<hbm>> -> memref<10000x64xf32, #tpu.memory_space<hbm>>
    tpu.enqueue_indirect_dma source(%dma_start3A_117 : memref<10000x64xf32, #tpu.memory_space<hbm>>) target(%arg12 : memref<128x64xf32, #tpu.memory_space<vmem>>) offsets(%dma_start3A_114 : memref<128xi32, #tpu.memory_space<vmem>>) semaphore(%arg18 : memref<!tpu.dma_semaphore, #tpu.memory_space<semaphore_mem>>)
    %dma_wait3A_118 = arith.constant 9728 : i32
    %dma_wait3A_119 = tpu.memref_slice %arg9[%dma_wait3A_118] : memref<10000xi32, #tpu.memory_space<vmem>> -> memref<128xi32, #tpu.memory_space<vmem>>
    %dma_wait3A_120 = arith.constant 0 : i32
    %dma_wait3A_121 = arith.constant 0 : i32
    %dma_wait3A_122 = tpu.memref_slice %arg2[%dma_wait3A_120, %dma_wait3A_121] : memref<10000x64xf32, #tpu.memory_space<hbm>> -> memref<10000x64xf32, #tpu.memory_space<hbm>>
    tpu.wait_indirect_dma semaphore(%arg17 : memref<!tpu.dma_semaphore, #tpu.memory_space<semaphore_mem>>) src(%dma_wait3A_122 : memref<10000x64xf32, #tpu.memory_space<hbm>>) dst(%arg11 : memref<128x64xf32, #tpu.memory_space<vmem>>)
    %dma_start3A_123 = arith.constant 9728 : i32
    %dma_start3A_124 = tpu.memref_slice %arg10[%dma_start3A_123] : memref<10000xi32, #tpu.memory_space<vmem>> -> memref<128xi32, #tpu.memory_space<vmem>>
    %dma_start3A_125 = arith.constant 0 : i32
    %dma_start3A_126 = arith.constant 0 : i32
    %dma_start3A_127 = tpu.memref_slice %arg16[%dma_start3A_125, %dma_start3A_126] : memref<10112x64xf32, #tpu.memory_space<vmem_shared>> -> memref<10112x64xf32, #tpu.memory_space<vmem_shared>>
    tpu.enqueue_indirect_dma source(%arg11 : memref<128x64xf32, #tpu.memory_space<vmem>>) target(%dma_start3A_127 : memref<10112x64xf32, #tpu.memory_space<vmem_shared>>) offsets(%dma_start3A_124 : memref<128xi32, #tpu.memory_space<vmem>>) semaphore(%arg21 : memref<!tpu.dma_semaphore, #tpu.memory_space<semaphore_mem>>) {add = true}
    %dma_wait3A_128 = arith.constant 9472 : i32
    %dma_wait3A_129 = tpu.memref_slice %arg10[%dma_wait3A_128] : memref<10000xi32, #tpu.memory_space<vmem>> -> memref<128xi32, #tpu.memory_space<vmem>>
    %dma_wait3A_130 = arith.constant 0 : i32
    %dma_wait3A_131 = arith.constant 0 : i32
    %dma_wait3A_132 = tpu.memref_slice %arg26[%dma_wait3A_130, %dma_wait3A_131] : memref<10112x16xf32, #tpu.memory_space<vmem_shared>> -> memref<10112x16xf32, #tpu.memory_space<vmem_shared>>
    tpu.wait_indirect_dma semaphore(%arg27 : memref<!tpu.dma_semaphore, #tpu.memory_space<semaphore_mem>>) src(%arg25 : memref<128x16xf32, #tpu.memory_space<vmem>>) dst(%dma_wait3A_132 : memref<10112x16xf32, #tpu.memory_space<vmem_shared>>)
    %dma_start3A_133 = arith.constant 9728 : i32
    %dma_start3A_134 = tpu.memref_slice %arg10[%dma_start3A_133] : memref<10000xi32, #tpu.memory_space<vmem>> -> memref<128xi32, #tpu.memory_space<vmem>>
    %dma_start3A_135 = arith.constant 0 : i32
    %dma_start3A_136 = arith.constant 0 : i32
    %dma_start3A_137 = tpu.memref_slice %arg26[%dma_start3A_135, %dma_start3A_136] : memref<10112x16xf32, #tpu.memory_space<vmem_shared>> -> memref<10112x16xf32, #tpu.memory_space<vmem_shared>>
    tpu.enqueue_indirect_dma source(%arg25 : memref<128x16xf32, #tpu.memory_space<vmem>>) target(%dma_start3A_137 : memref<10112x16xf32, #tpu.memory_space<vmem_shared>>) offsets(%dma_start3A_134 : memref<128xi32, #tpu.memory_space<vmem>>) semaphore(%arg27 : memref<!tpu.dma_semaphore, #tpu.memory_space<semaphore_mem>>) {add = true}
    %dma_wait3A_138 = arith.constant 9472 : i32
    %dma_wait3A_139 = tpu.memref_slice %arg10[%dma_wait3A_138] : memref<10000xi32, #tpu.memory_space<vmem>> -> memref<128xi32, #tpu.memory_space<vmem>>
    %dma_wait3A_140 = arith.constant 0 : i32
    %dma_wait3A_141 = arith.constant 0 : i32
    %dma_wait3A_142 = tpu.memref_slice %arg16[%dma_wait3A_140, %dma_wait3A_141] : memref<10112x64xf32, #tpu.memory_space<vmem_shared>> -> memref<10112x64xf32, #tpu.memory_space<vmem_shared>>
    tpu.wait_indirect_dma semaphore(%arg23 : memref<!tpu.dma_semaphore, #tpu.memory_space<semaphore_mem>>) src(%arg13 : memref<128x64xf32, #tpu.memory_space<vmem>>) dst(%dma_wait3A_142 : memref<10112x64xf32, #tpu.memory_space<vmem_shared>>)
    %dma_start3A_143 = arith.constant 9984 : i32
    %dma_start3A_144 = tpu.memref_slice %arg9[%dma_start3A_143] : memref<10000xi32, #tpu.memory_space<vmem>> -> memref<16xi32, #tpu.memory_space<vmem>>
    %dma_start3A_145 = arith.constant 0 : i32
    %dma_start3A_146 = arith.constant 0 : i32
    %dma_start3A_147 = tpu.memref_slice %arg2[%dma_start3A_145, %dma_start3A_146] : memref<10000x64xf32, #tpu.memory_space<hbm>> -> memref<10000x64xf32, #tpu.memory_space<hbm>>
    tpu.enqueue_indirect_dma source(%dma_start3A_147 : memref<10000x64xf32, #tpu.memory_space<hbm>>) target(%arg15 : memref<16x64xf32, #tpu.memory_space<vmem>>) offsets(%dma_start3A_144 : memref<16xi32, #tpu.memory_space<vmem>>) semaphore(%arg19 : memref<!tpu.dma_semaphore, #tpu.memory_space<semaphore_mem>>)
    %dma_wait3A_148 = arith.constant 9856 : i32
    %dma_wait3A_149 = tpu.memref_slice %arg9[%dma_wait3A_148] : memref<10000xi32, #tpu.memory_space<vmem>> -> memref<128xi32, #tpu.memory_space<vmem>>
    %dma_wait3A_150 = arith.constant 0 : i32
    %dma_wait3A_151 = arith.constant 0 : i32
    %dma_wait3A_152 = tpu.memref_slice %arg2[%dma_wait3A_150, %dma_wait3A_151] : memref<10000x64xf32, #tpu.memory_space<hbm>> -> memref<10000x64xf32, #tpu.memory_space<hbm>>
    tpu.wait_indirect_dma semaphore(%arg18 : memref<!tpu.dma_semaphore, #tpu.memory_space<semaphore_mem>>) src(%dma_wait3A_152 : memref<10000x64xf32, #tpu.memory_space<hbm>>) dst(%arg12 : memref<128x64xf32, #tpu.memory_space<vmem>>)
    %dma_start3A_153 = arith.constant 9856 : i32
    %dma_start3A_154 = tpu.memref_slice %arg10[%dma_start3A_153] : memref<10000xi32, #tpu.memory_space<vmem>> -> memref<128xi32, #tpu.memory_space<vmem>>
    %dma_start3A_155 = arith.constant 0 : i32
    %dma_start3A_156 = arith.constant 0 : i32
    %dma_start3A_157 = tpu.memref_slice %arg16[%dma_start3A_155, %dma_start3A_156] : memref<10112x64xf32, #tpu.memory_space<vmem_shared>> -> memref<10112x64xf32, #tpu.memory_space<vmem_shared>>
    tpu.enqueue_indirect_dma source(%arg12 : memref<128x64xf32, #tpu.memory_space<vmem>>) target(%dma_start3A_157 : memref<10112x64xf32, #tpu.memory_space<vmem_shared>>) offsets(%dma_start3A_154 : memref<128xi32, #tpu.memory_space<vmem>>) semaphore(%arg22 : memref<!tpu.dma_semaphore, #tpu.memory_space<semaphore_mem>>) {add = true}
    %dma_wait3A_158 = arith.constant 9600 : i32
    %dma_wait3A_159 = tpu.memref_slice %arg10[%dma_wait3A_158] : memref<10000xi32, #tpu.memory_space<vmem>> -> memref<128xi32, #tpu.memory_space<vmem>>
    %dma_wait3A_160 = arith.constant 0 : i32
    %dma_wait3A_161 = arith.constant 0 : i32
    %dma_wait3A_162 = tpu.memref_slice %arg26[%dma_wait3A_160, %dma_wait3A_161] : memref<10112x16xf32, #tpu.memory_space<vmem_shared>> -> memref<10112x16xf32, #tpu.memory_space<vmem_shared>>
    tpu.wait_indirect_dma semaphore(%arg28 : memref<!tpu.dma_semaphore, #tpu.memory_space<semaphore_mem>>) src(%arg25 : memref<128x16xf32, #tpu.memory_space<vmem>>) dst(%dma_wait3A_162 : memref<10112x16xf32, #tpu.memory_space<vmem_shared>>)
    %dma_start3A_163 = arith.constant 9856 : i32
    %dma_start3A_164 = tpu.memref_slice %arg10[%dma_start3A_163] : memref<10000xi32, #tpu.memory_space<vmem>> -> memref<128xi32, #tpu.memory_space<vmem>>
    %dma_start3A_165 = arith.constant 0 : i32
    %dma_start3A_166 = arith.constant 0 : i32
    %dma_start3A_167 = tpu.memref_slice %arg26[%dma_start3A_165, %dma_start3A_166] : memref<10112x16xf32, #tpu.memory_space<vmem_shared>> -> memref<10112x16xf32, #tpu.memory_space<vmem_shared>>
    tpu.enqueue_indirect_dma source(%arg25 : memref<128x16xf32, #tpu.memory_space<vmem>>) target(%dma_start3A_167 : memref<10112x16xf32, #tpu.memory_space<vmem_shared>>) offsets(%dma_start3A_164 : memref<128xi32, #tpu.memory_space<vmem>>) semaphore(%arg28 : memref<!tpu.dma_semaphore, #tpu.memory_space<semaphore_mem>>) {add = true}
    %dma_wait3A_168 = arith.constant 9600 : i32
    %dma_wait3A_169 = tpu.memref_slice %arg10[%dma_wait3A_168] : memref<10000xi32, #tpu.memory_space<vmem>> -> memref<128xi32, #tpu.memory_space<vmem>>
    %dma_wait3A_170 = arith.constant 0 : i32
    %dma_wait3A_171 = arith.constant 0 : i32
    %dma_wait3A_172 = tpu.memref_slice %arg16[%dma_wait3A_170, %dma_wait3A_171] : memref<10112x64xf32, #tpu.memory_space<vmem_shared>> -> memref<10112x64xf32, #tpu.memory_space<vmem_shared>>
    tpu.wait_indirect_dma semaphore(%arg24 : memref<!tpu.dma_semaphore, #tpu.memory_space<semaphore_mem>>) src(%arg14 : memref<128x64xf32, #tpu.memory_space<vmem>>) dst(%dma_wait3A_172 : memref<10112x64xf32, #tpu.memory_space<vmem_shared>>)
    %dma_wait3A_173 = arith.constant 9984 : i32
    %dma_wait3A_174 = tpu.memref_slice %arg9[%dma_wait3A_173] : memref<10000xi32, #tpu.memory_space<vmem>> -> memref<16xi32, #tpu.memory_space<vmem>>
    %dma_wait3A_175 = arith.constant 0 : i32
    %dma_wait3A_176 = arith.constant 0 : i32
    %dma_wait3A_177 = tpu.memref_slice %arg2[%dma_wait3A_175, %dma_wait3A_176] : memref<10000x64xf32, #tpu.memory_space<hbm>> -> memref<10000x64xf32, #tpu.memory_space<hbm>>
    tpu.wait_indirect_dma semaphore(%arg19 : memref<!tpu.dma_semaphore, #tpu.memory_space<semaphore_mem>>) src(%dma_wait3A_177 : memref<10000x64xf32, #tpu.memory_space<hbm>>) dst(%arg15 : memref<16x64xf32, #tpu.memory_space<vmem>>)
    "tpu.region"() ({
      %run_scoped3A_199 = tpu.sem_alloc : memref<!tpu.dma_semaphore, #tpu.memory_space<semaphore_mem>>
      %dma_start3A_200 = arith.constant 9984 : i32
      %dma_start3A_201 = tpu.memref_slice %arg10[%dma_start3A_200] : memref<10000xi32, #tpu.memory_space<vmem>> -> memref<16xi32, #tpu.memory_space<vmem>>
      %dma_start3A_202 = arith.constant 0 : i32
      %dma_start3A_203 = arith.constant 0 : i32
      %dma_start3A_204 = tpu.memref_slice %arg16[%dma_start3A_202, %dma_start3A_203] : memref<10112x64xf32, #tpu.memory_space<vmem_shared>> -> memref<10112x64xf32, #tpu.memory_space<vmem_shared>>
      tpu.enqueue_indirect_dma source(%arg15 : memref<16x64xf32, #tpu.memory_space<vmem>>) target(%dma_start3A_204 : memref<10112x64xf32, #tpu.memory_space<vmem_shared>>) offsets(%dma_start3A_201 : memref<16xi32, #tpu.memory_space<vmem>>) semaphore(%run_scoped3A_199 : memref<!tpu.dma_semaphore, #tpu.memory_space<semaphore_mem>>) {add = true}
      %dma_wait3A_205 = arith.constant 9984 : i32
      %dma_wait3A_206 = tpu.memref_slice %arg10[%dma_wait3A_205] : memref<10000xi32, #tpu.memory_space<vmem>> -> memref<16xi32, #tpu.memory_space<vmem>>
      %dma_wait3A_207 = arith.constant 0 : i32
      %dma_wait3A_208 = arith.constant 0 : i32
      %dma_wait3A_209 = tpu.memref_slice %arg16[%dma_wait3A_207, %dma_wait3A_208] : memref<10112x64xf32, #tpu.memory_space<vmem_shared>> -> memref<10112x64xf32, #tpu.memory_space<vmem_shared>>
      tpu.wait_indirect_dma semaphore(%run_scoped3A_199 : memref<!tpu.dma_semaphore, #tpu.memory_space<semaphore_mem>>) src(%arg15 : memref<16x64xf32, #tpu.memory_space<vmem>>) dst(%dma_wait3A_209 : memref<10112x64xf32, #tpu.memory_space<vmem_shared>>)
      tpu.yield
    }) : () -> ()
    %dma_wait3A_178 = arith.constant 9728 : i32
    %dma_wait3A_179 = tpu.memref_slice %arg10[%dma_wait3A_178] : memref<10000xi32, #tpu.memory_space<vmem>> -> memref<128xi32, #tpu.memory_space<vmem>>
    %dma_wait3A_180 = arith.constant 0 : i32
    %dma_wait3A_181 = arith.constant 0 : i32
    %dma_wait3A_182 = tpu.memref_slice %arg26[%dma_wait3A_180, %dma_wait3A_181] : memref<10112x16xf32, #tpu.memory_space<vmem_shared>> -> memref<10112x16xf32, #tpu.memory_space<vmem_shared>>
    tpu.wait_indirect_dma semaphore(%arg27 : memref<!tpu.dma_semaphore, #tpu.memory_space<semaphore_mem>>) src(%arg25 : memref<128x16xf32, #tpu.memory_space<vmem>>) dst(%dma_wait3A_182 : memref<10112x16xf32, #tpu.memory_space<vmem_shared>>)
    %dma_wait3A_183 = arith.constant 9856 : i32
    %dma_wait3A_184 = tpu.memref_slice %arg10[%dma_wait3A_183] : memref<10000xi32, #tpu.memory_space<vmem>> -> memref<128xi32, #tpu.memory_space<vmem>>
    %dma_wait3A_185 = arith.constant 0 : i32
    %dma_wait3A_186 = arith.constant 0 : i32
    %dma_wait3A_187 = tpu.memref_slice %arg26[%dma_wait3A_185, %dma_wait3A_186] : memref<10112x16xf32, #tpu.memory_space<vmem_shared>> -> memref<10112x16xf32, #tpu.memory_space<vmem_shared>>
    tpu.wait_indirect_dma semaphore(%arg28 : memref<!tpu.dma_semaphore, #tpu.memory_space<semaphore_mem>>) src(%arg25 : memref<128x16xf32, #tpu.memory_space<vmem>>) dst(%dma_wait3A_187 : memref<10112x16xf32, #tpu.memory_space<vmem_shared>>)
    "tpu.region"() ({
      %run_scoped3A_199 = tpu.sem_alloc : memref<!tpu.dma_semaphore, #tpu.memory_space<semaphore_mem>>
      %dma_start3A_200 = arith.constant 0 : i32
      %dma_start3A_201 = arith.constant 0 : i32
      %dma_start3A_202 = tpu.memref_slice %arg25[%dma_start3A_200, %dma_start3A_201] : memref<128x16xf32, #tpu.memory_space<vmem>> -> memref<16x16xf32, #tpu.memory_space<vmem>>
      %dma_start3A_203 = arith.constant 9984 : i32
      %dma_start3A_204 = tpu.memref_slice %arg10[%dma_start3A_203] : memref<10000xi32, #tpu.memory_space<vmem>> -> memref<16xi32, #tpu.memory_space<vmem>>
      %dma_start3A_205 = arith.constant 0 : i32
      %dma_start3A_206 = arith.constant 0 : i32
      %dma_start3A_207 = tpu.memref_slice %arg26[%dma_start3A_205, %dma_start3A_206] : memref<10112x16xf32, #tpu.memory_space<vmem_shared>> -> memref<10112x16xf32, #tpu.memory_space<vmem_shared>>
      tpu.enqueue_indirect_dma source(%dma_start3A_202 : memref<16x16xf32, #tpu.memory_space<vmem>>) target(%dma_start3A_207 : memref<10112x16xf32, #tpu.memory_space<vmem_shared>>) offsets(%dma_start3A_204 : memref<16xi32, #tpu.memory_space<vmem>>) semaphore(%run_scoped3A_199 : memref<!tpu.dma_semaphore, #tpu.memory_space<semaphore_mem>>) {add = true}
      %dma_wait3A_208 = arith.constant 0 : i32
      %dma_wait3A_209 = arith.constant 0 : i32
      %dma_wait3A_210 = tpu.memref_slice %arg25[%dma_wait3A_208, %dma_wait3A_209] : memref<128x16xf32, #tpu.memory_space<vmem>> -> memref<16x16xf32, #tpu.memory_space<vmem>>
      %dma_wait3A_211 = arith.constant 9984 : i32
      %dma_wait3A_212 = tpu.memref_slice %arg10[%dma_wait3A_211] : memref<10000xi32, #tpu.memory_space<vmem>> -> memref<16xi32, #tpu.memory_space<vmem>>
      %dma_wait3A_213 = arith.constant 0 : i32
      %dma_wait3A_214 = arith.constant 0 : i32
      %dma_wait3A_215 = tpu.memref_slice %arg26[%dma_wait3A_213, %dma_wait3A_214] : memref<10112x16xf32, #tpu.memory_space<vmem_shared>> -> memref<10112x16xf32, #tpu.memory_space<vmem_shared>>
      tpu.wait_indirect_dma semaphore(%run_scoped3A_199 : memref<!tpu.dma_semaphore, #tpu.memory_space<semaphore_mem>>) src(%dma_wait3A_210 : memref<16x16xf32, #tpu.memory_space<vmem>>) dst(%dma_wait3A_215 : memref<10112x16xf32, #tpu.memory_space<vmem_shared>>)
      tpu.yield
    }) : () -> ()
    %dma_wait3A_188 = arith.constant 9728 : i32
    %dma_wait3A_189 = tpu.memref_slice %arg10[%dma_wait3A_188] : memref<10000xi32, #tpu.memory_space<vmem>> -> memref<128xi32, #tpu.memory_space<vmem>>
    %dma_wait3A_190 = arith.constant 0 : i32
    %dma_wait3A_191 = arith.constant 0 : i32
    %dma_wait3A_192 = tpu.memref_slice %arg16[%dma_wait3A_190, %dma_wait3A_191] : memref<10112x64xf32, #tpu.memory_space<vmem_shared>> -> memref<10112x64xf32, #tpu.memory_space<vmem_shared>>
    tpu.wait_indirect_dma semaphore(%arg21 : memref<!tpu.dma_semaphore, #tpu.memory_space<semaphore_mem>>) src(%arg11 : memref<128x64xf32, #tpu.memory_space<vmem>>) dst(%dma_wait3A_192 : memref<10112x64xf32, #tpu.memory_space<vmem_shared>>)
    %dma_wait3A_193 = arith.constant 9856 : i32
    %dma_wait3A_194 = tpu.memref_slice %arg10[%dma_wait3A_193] : memref<10000xi32, #tpu.memory_space<vmem>> -> memref<128xi32, #tpu.memory_space<vmem>>
    %dma_wait3A_195 = arith.constant 0 : i32
    %dma_wait3A_196 = arith.constant 0 : i32
    %dma_wait3A_197 = tpu.memref_slice %arg16[%dma_wait3A_195, %dma_wait3A_196] : memref<10112x64xf32, #tpu.memory_space<vmem_shared>> -> memref<10112x64xf32, #tpu.memory_space<vmem_shared>>
    tpu.wait_indirect_dma semaphore(%arg22 : memref<!tpu.dma_semaphore, #tpu.memory_space<semaphore_mem>>) src(%arg12 : memref<128x64xf32, #tpu.memory_space<vmem>>) dst(%dma_wait3A_197 : memref<10112x64xf32, #tpu.memory_space<vmem_shared>>)
    %barrier3A_198 = arith.constant 0 : index
    tpu.barrier barrier_id(%barrier3A_198)
    "tpu.region"() ({
      %run_scoped3A_199 = tpu.sem_alloc : memref<!tpu.dma_semaphore, #tpu.memory_space<semaphore_mem>>
      %dma_start3A_200 = arith.constant 0 : i32
      %dma_start3A_201 = arith.constant 0 : i32
      %dma_start3A_202 = tpu.memref_slice %arg7[%arg0, %dma_start3A_200, %dma_start3A_201] : memref<2x10112x64xf32, #tpu.memory_space<hbm>> -> memref<1x10112x64xf32, #tpu.memory_space<hbm>>
      %dma_start3A_203 = tpu.memref_squeeze %dma_start3A_202 : memref<1x10112x64xf32, #tpu.memory_space<hbm>> -> memref<10112x64xf32, #tpu.memory_space<hbm>>
      %dma_start3A_204 = arith.constant 0 : i32
      %dma_start3A_205 = tpu.memref_slice %dma_start3A_203[%mul3A_2, %dma_start3A_204] : memref<10112x64xf32, #tpu.memory_space<hbm>> -> memref<632x64xf32, #tpu.memory_space<hbm>>
      %dma_start3A_206 = arith.constant 0 : i32
      %dma_start3A_207 = tpu.memref_slice %arg16[%mul3A_2, %dma_start3A_206] : memref<10112x64xf32, #tpu.memory_space<vmem_shared>> -> memref<632x64xf32, #tpu.memory_space<vmem_shared>>
      tpu.enqueue_dma source(%dma_start3A_207 : memref<632x64xf32, #tpu.memory_space<vmem_shared>>) target(%dma_start3A_205 : memref<632x64xf32, #tpu.memory_space<hbm>>) target_semaphore(%run_scoped3A_199 : memref<!tpu.dma_semaphore, #tpu.memory_space<semaphore_mem>>)
      %dma_wait3A_208 = arith.constant 0 : i32
      %dma_wait3A_209 = arith.constant 0 : i32
      %dma_wait3A_210 = tpu.memref_slice %arg7[%arg0, %dma_wait3A_208, %dma_wait3A_209] : memref<2x10112x64xf32, #tpu.memory_space<hbm>> -> memref<1x10112x64xf32, #tpu.memory_space<hbm>>
      %dma_wait3A_211 = tpu.memref_squeeze %dma_wait3A_210 : memref<1x10112x64xf32, #tpu.memory_space<hbm>> -> memref<10112x64xf32, #tpu.memory_space<hbm>>
      %dma_wait3A_212 = arith.constant 0 : i32
      %dma_wait3A_213 = tpu.memref_slice %dma_wait3A_211[%mul3A_2, %dma_wait3A_212] : memref<10112x64xf32, #tpu.memory_space<hbm>> -> memref<632x64xf32, #tpu.memory_space<hbm>>
      %dma_wait3A_214 = arith.constant 0 : i32
      %dma_wait3A_215 = tpu.memref_slice %arg16[%mul3A_2, %dma_wait3A_214] : memref<10112x64xf32, #tpu.memory_space<vmem_shared>> -> memref<632x64xf32, #tpu.memory_space<vmem_shared>>
      tpu.wait_dma2 semaphore(%run_scoped3A_199 : memref<!tpu.dma_semaphore, #tpu.memory_space<semaphore_mem>>) src(%dma_wait3A_215 : memref<632x64xf32, #tpu.memory_space<vmem_shared>>) dst(%dma_wait3A_213 : memref<632x64xf32, #tpu.memory_space<hbm>>)
      tpu.yield
    }) : () -> ()
    "tpu.region"() ({
      %run_scoped3A_199 = tpu.sem_alloc : memref<!tpu.dma_semaphore, #tpu.memory_space<semaphore_mem>>
      %dma_start3A_200 = arith.constant 0 : i32
      %dma_start3A_201 = arith.constant 0 : i32
      %dma_start3A_202 = tpu.memref_slice %arg8[%arg0, %dma_start3A_200, %dma_start3A_201] : memref<2x10112x16xf32, #tpu.memory_space<hbm>> -> memref<1x10112x16xf32, #tpu.memory_space<hbm>>
      %dma_start3A_203 = tpu.memref_squeeze %dma_start3A_202 : memref<1x10112x16xf32, #tpu.memory_space<hbm>> -> memref<10112x16xf32, #tpu.memory_space<hbm>>
      %dma_start3A_204 = arith.constant 0 : i32
      %dma_start3A_205 = tpu.memref_slice %dma_start3A_203[%mul3A_2, %dma_start3A_204] : memref<10112x16xf32, #tpu.memory_space<hbm>> -> memref<632x16xf32, #tpu.memory_space<hbm>>
      %dma_start3A_206 = arith.constant 0 : i32
      %dma_start3A_207 = tpu.memref_slice %arg26[%mul3A_2, %dma_start3A_206] : memref<10112x16xf32, #tpu.memory_space<vmem_shared>> -> memref<632x16xf32, #tpu.memory_space<vmem_shared>>
      tpu.enqueue_dma source(%dma_start3A_207 : memref<632x16xf32, #tpu.memory_space<vmem_shared>>) target(%dma_start3A_205 : memref<632x16xf32, #tpu.memory_space<hbm>>) target_semaphore(%run_scoped3A_199 : memref<!tpu.dma_semaphore, #tpu.memory_space<semaphore_mem>>)
      %dma_wait3A_208 = arith.constant 0 : i32
      %dma_wait3A_209 = arith.constant 0 : i32
      %dma_wait3A_210 = tpu.memref_slice %arg8[%arg0, %dma_wait3A_208, %dma_wait3A_209] : memref<2x10112x16xf32, #tpu.memory_space<hbm>> -> memref<1x10112x16xf32, #tpu.memory_space<hbm>>
      %dma_wait3A_211 = tpu.memref_squeeze %dma_wait3A_210 : memref<1x10112x16xf32, #tpu.memory_space<hbm>> -> memref<10112x16xf32, #tpu.memory_space<hbm>>
      %dma_wait3A_212 = arith.constant 0 : i32
      %dma_wait3A_213 = tpu.memref_slice %dma_wait3A_211[%mul3A_2, %dma_wait3A_212] : memref<10112x16xf32, #tpu.memory_space<hbm>> -> memref<632x16xf32, #tpu.memory_space<hbm>>
      %dma_wait3A_214 = arith.constant 0 : i32
      %dma_wait3A_215 = tpu.memref_slice %arg26[%mul3A_2, %dma_wait3A_214] : memref<10112x16xf32, #tpu.memory_space<vmem_shared>> -> memref<632x16xf32, #tpu.memory_space<vmem_shared>>
      tpu.wait_dma2 semaphore(%run_scoped3A_199 : memref<!tpu.dma_semaphore, #tpu.memory_space<semaphore_mem>>) src(%dma_wait3A_215 : memref<632x16xf32, #tpu.memory_space<vmem_shared>>) dst(%dma_wait3A_213 : memref<632x16xf32, #tpu.memory_space<hbm>>)
      tpu.yield
    }) : () -> ()
    return
  }
}

#map = affine_map<(d0, d1) -> (0, 0)>
#map1 = affine_map<(d0, d1) -> (0, 0, 0)>
module attributes {stable_mosaic.version = 14 : i64} {
  func.func @body(%arg0: i32, %arg1: i32, %arg2: memref<10000x64xf32, #tpu.memory_space<hbm>>, %arg3: memref<2x320000xi32, #tpu.memory_space<hbm>>, %arg4: memref<632x64xf32, #tpu.memory_space<hbm>>, %arg5: memref<2x10112x64xf32, #tpu.memory_space<hbm>>, %arg6: memref<10000xi32, #tpu.memory_space<vmem>>, %arg7: memref<10000xi32, #tpu.memory_space<vmem>>, %arg8: memref<128x64xf32, #tpu.memory_space<vmem>>, %arg9: memref<128x64xf32, #tpu.memory_space<vmem>>, %arg10: memref<128x64xf32, #tpu.memory_space<vmem>>, %arg11: memref<128x64xf32, #tpu.memory_space<vmem>>, %arg12: memref<16x64xf32, #tpu.memory_space<vmem>>, %arg13: memref<10112x64xf32, #tpu.memory_space<vmem_shared>>, %arg14: memref<!tpu.dma_semaphore, #tpu.memory_space<semaphore_mem>>, %arg15: memref<!tpu.dma_semaphore, #tpu.memory_space<semaphore_mem>>, %arg16: memref<!tpu.dma_semaphore, #tpu.memory_space<semaphore_mem>>, %arg17: memref<!tpu.dma_semaphore, #tpu.memory_space<semaphore_mem>>, %arg18: memref<!tpu.dma_semaphore, #tpu.memory_space<semaphore_mem>>, %arg19: memref<!tpu.dma_semaphore, #tpu.memory_space<semaphore_mem>>, %arg20: memref<!tpu.dma_semaphore, #tpu.memory_space<semaphore_mem>>, %arg21: memref<!tpu.dma_semaphore, #tpu.memory_space<semaphore_mem>>) attributes {dimension_semantics = [#tpu.dimension_semantics<core_parallel>, #tpu.dimension_semantics<subcore_parallel>], iteration_bounds = array<i64: 2, 16>, scalar_prefetch = 0 : i64, scratch_operands = 16 : i64, tpu.core_type = #tpu.core_type<sc_vector_subcore>, window_params = [{transform_indices = #map}, {transform_indices = #map}, {transform_indices = #map}, {transform_indices = #map1}]} {
    %mul3A = arith.constant 16 : i32
    %mul3A_0 = arith.muli %arg0, %mul3A : i32
    %add3A = arith.addi %mul3A_0, %arg1 : i32
    %mul3A_1 = arith.constant 632 : i32
    %mul3A_2 = arith.muli %arg1, %mul3A_1 : i32
    %mul3A_3 = arith.constant 10000 : i32
    %mul3A_4 = arith.muli %add3A, %mul3A_3 : i32
    "tpu.region"() ({
      %run_scoped3A_139 = tpu.sem_alloc : memref<!tpu.dma_semaphore, #tpu.memory_space<semaphore_mem>>
      %dma_start3A_140 = arith.constant 0 : i32
      %dma_start3A_141 = tpu.memref_slice %arg13[%mul3A_2, %dma_start3A_140] : memref<10112x64xf32, #tpu.memory_space<vmem_shared>> -> memref<632x64xf32, #tpu.memory_space<vmem_shared>>
      tpu.enqueue_dma source(%arg4 : memref<632x64xf32, #tpu.memory_space<hbm>>) target(%dma_start3A_141 : memref<632x64xf32, #tpu.memory_space<vmem_shared>>) target_semaphore(%run_scoped3A_139 : memref<!tpu.dma_semaphore, #tpu.memory_space<semaphore_mem>>)
      %dma_wait3A_142 = arith.constant 0 : i32
      %dma_wait3A_143 = tpu.memref_slice %arg13[%mul3A_2, %dma_wait3A_142] : memref<10112x64xf32, #tpu.memory_space<vmem_shared>> -> memref<632x64xf32, #tpu.memory_space<vmem_shared>>
      tpu.wait_dma2 semaphore(%run_scoped3A_139 : memref<!tpu.dma_semaphore, #tpu.memory_space<semaphore_mem>>) src(%arg4 : memref<632x64xf32, #tpu.memory_space<hbm>>) dst(%dma_wait3A_143 : memref<632x64xf32, #tpu.memory_space<vmem_shared>>)
      tpu.yield
    }) : () -> ()
    %run_scoped3A = arith.constant 0 : i32
    "tpu.region"() ({
      %run_scoped3A_139 = tpu.sem_alloc : memref<!tpu.dma_semaphore, #tpu.memory_space<semaphore_mem>>
      %dma_start3A_140 = arith.constant 0 : i32
      %dma_start3A_141 = tpu.memref_slice %arg3[%run_scoped3A, %dma_start3A_140] : memref<2x320000xi32, #tpu.memory_space<hbm>> -> memref<1x320000xi32, #tpu.memory_space<hbm>>
      %dma_start3A_142 = tpu.memref_squeeze %dma_start3A_141 : memref<1x320000xi32, #tpu.memory_space<hbm>> -> memref<320000xi32, #tpu.memory_space<hbm>>
      %dma_start3A_143 = tpu.memref_slice %dma_start3A_142[%mul3A_4] : memref<320000xi32, #tpu.memory_space<hbm>> -> memref<10000xi32, #tpu.memory_space<hbm>>
      %dma_start3A_144 = arith.constant 0 : i32
      %dma_start3A_145 = tpu.memref_slice %arg3[%run_scoped3A, %dma_start3A_144] : memref<2x320000xi32, #tpu.memory_space<hbm>> -> memref<1x320000xi32, #tpu.memory_space<hbm>>
      %dma_start3A_146 = tpu.memref_squeeze %dma_start3A_145 : memref<1x320000xi32, #tpu.memory_space<hbm>> -> memref<320000xi32, #tpu.memory_space<hbm>>
      %dma_start3A_147 = tpu.memref_slice %dma_start3A_146[%mul3A_4] : memref<320000xi32, #tpu.memory_space<hbm>> -> memref<10000xi32, #tpu.memory_space<hbm>>
      tpu.enqueue_dma source(%dma_start3A_147 : memref<10000xi32, #tpu.memory_space<hbm>>) target(%arg6 : memref<10000xi32, #tpu.memory_space<vmem>>) target_semaphore(%run_scoped3A_139 : memref<!tpu.dma_semaphore, #tpu.memory_space<semaphore_mem>>)
      %dma_wait3A_148 = arith.constant 0 : i32
      %dma_wait3A_149 = tpu.memref_slice %arg3[%run_scoped3A, %dma_wait3A_148] : memref<2x320000xi32, #tpu.memory_space<hbm>> -> memref<1x320000xi32, #tpu.memory_space<hbm>>
      %dma_wait3A_150 = tpu.memref_squeeze %dma_wait3A_149 : memref<1x320000xi32, #tpu.memory_space<hbm>> -> memref<320000xi32, #tpu.memory_space<hbm>>
      %dma_wait3A_151 = tpu.memref_slice %dma_wait3A_150[%mul3A_4] : memref<320000xi32, #tpu.memory_space<hbm>> -> memref<10000xi32, #tpu.memory_space<hbm>>
      %dma_wait3A_152 = arith.constant 0 : i32
      %dma_wait3A_153 = tpu.memref_slice %arg3[%run_scoped3A, %dma_wait3A_152] : memref<2x320000xi32, #tpu.memory_space<hbm>> -> memref<1x320000xi32, #tpu.memory_space<hbm>>
      %dma_wait3A_154 = tpu.memref_squeeze %dma_wait3A_153 : memref<1x320000xi32, #tpu.memory_space<hbm>> -> memref<320000xi32, #tpu.memory_space<hbm>>
      %dma_wait3A_155 = tpu.memref_slice %dma_wait3A_154[%mul3A_4] : memref<320000xi32, #tpu.memory_space<hbm>> -> memref<10000xi32, #tpu.memory_space<hbm>>
      tpu.wait_dma2 semaphore(%run_scoped3A_139 : memref<!tpu.dma_semaphore, #tpu.memory_space<semaphore_mem>>) src(%dma_wait3A_155 : memref<10000xi32, #tpu.memory_space<hbm>>) dst(%arg6 : memref<10000xi32, #tpu.memory_space<vmem>>)
      tpu.yield
    }) : () -> ()
    %run_scoped3A_5 = arith.constant 1 : i32
    "tpu.region"() ({
      %run_scoped3A_139 = tpu.sem_alloc : memref<!tpu.dma_semaphore, #tpu.memory_space<semaphore_mem>>
      %dma_start3A_140 = arith.constant 0 : i32
      %dma_start3A_141 = tpu.memref_slice %arg3[%run_scoped3A_5, %dma_start3A_140] : memref<2x320000xi32, #tpu.memory_space<hbm>> -> memref<1x320000xi32, #tpu.memory_space<hbm>>
      %dma_start3A_142 = tpu.memref_squeeze %dma_start3A_141 : memref<1x320000xi32, #tpu.memory_space<hbm>> -> memref<320000xi32, #tpu.memory_space<hbm>>
      %dma_start3A_143 = tpu.memref_slice %dma_start3A_142[%mul3A_4] : memref<320000xi32, #tpu.memory_space<hbm>> -> memref<10000xi32, #tpu.memory_space<hbm>>
      %dma_start3A_144 = arith.constant 0 : i32
      %dma_start3A_145 = tpu.memref_slice %arg3[%run_scoped3A_5, %dma_start3A_144] : memref<2x320000xi32, #tpu.memory_space<hbm>> -> memref<1x320000xi32, #tpu.memory_space<hbm>>
      %dma_start3A_146 = tpu.memref_squeeze %dma_start3A_145 : memref<1x320000xi32, #tpu.memory_space<hbm>> -> memref<320000xi32, #tpu.memory_space<hbm>>
      %dma_start3A_147 = tpu.memref_slice %dma_start3A_146[%mul3A_4] : memref<320000xi32, #tpu.memory_space<hbm>> -> memref<10000xi32, #tpu.memory_space<hbm>>
      tpu.enqueue_dma source(%dma_start3A_147 : memref<10000xi32, #tpu.memory_space<hbm>>) target(%arg7 : memref<10000xi32, #tpu.memory_space<vmem>>) target_semaphore(%run_scoped3A_139 : memref<!tpu.dma_semaphore, #tpu.memory_space<semaphore_mem>>)
      %dma_wait3A_148 = arith.constant 0 : i32
      %dma_wait3A_149 = tpu.memref_slice %arg3[%run_scoped3A_5, %dma_wait3A_148] : memref<2x320000xi32, #tpu.memory_space<hbm>> -> memref<1x320000xi32, #tpu.memory_space<hbm>>
      %dma_wait3A_150 = tpu.memref_squeeze %dma_wait3A_149 : memref<1x320000xi32, #tpu.memory_space<hbm>> -> memref<320000xi32, #tpu.memory_space<hbm>>
      %dma_wait3A_151 = tpu.memref_slice %dma_wait3A_150[%mul3A_4] : memref<320000xi32, #tpu.memory_space<hbm>> -> memref<10000xi32, #tpu.memory_space<hbm>>
      %dma_wait3A_152 = arith.constant 0 : i32
      %dma_wait3A_153 = tpu.memref_slice %arg3[%run_scoped3A_5, %dma_wait3A_152] : memref<2x320000xi32, #tpu.memory_space<hbm>> -> memref<1x320000xi32, #tpu.memory_space<hbm>>
      %dma_wait3A_154 = tpu.memref_squeeze %dma_wait3A_153 : memref<1x320000xi32, #tpu.memory_space<hbm>> -> memref<320000xi32, #tpu.memory_space<hbm>>
      %dma_wait3A_155 = tpu.memref_slice %dma_wait3A_154[%mul3A_4] : memref<320000xi32, #tpu.memory_space<hbm>> -> memref<10000xi32, #tpu.memory_space<hbm>>
      tpu.wait_dma2 semaphore(%run_scoped3A_139 : memref<!tpu.dma_semaphore, #tpu.memory_space<semaphore_mem>>) src(%dma_wait3A_155 : memref<10000xi32, #tpu.memory_space<hbm>>) dst(%arg7 : memref<10000xi32, #tpu.memory_space<vmem>>)
      tpu.yield
    }) : () -> ()
    %barrier3A = arith.constant 0 : index
    tpu.barrier barrier_id(%barrier3A)
    %dma_start3A = arith.constant 0 : i32
    %dma_start3A_6 = tpu.memref_slice %arg6[%dma_start3A] : memref<10000xi32, #tpu.memory_space<vmem>> -> memref<128xi32, #tpu.memory_space<vmem>>
    %dma_start3A_7 = arith.constant 0 : i32
    %dma_start3A_8 = arith.constant 0 : i32
    %dma_start3A_9 = tpu.memref_slice %arg2[%dma_start3A_7, %dma_start3A_8] : memref<10000x64xf32, #tpu.memory_space<hbm>> -> memref<10000x64xf32, #tpu.memory_space<hbm>>
    tpu.enqueue_indirect_dma source(%dma_start3A_9 : memref<10000x64xf32, #tpu.memory_space<hbm>>) target(%arg8 : memref<128x64xf32, #tpu.memory_space<vmem>>) offsets(%dma_start3A_6 : memref<128xi32, #tpu.memory_space<vmem>>) semaphore(%arg14 : memref<!tpu.dma_semaphore, #tpu.memory_space<semaphore_mem>>)
    %dma_start3A_10 = arith.constant 128 : i32
    %dma_start3A_11 = tpu.memref_slice %arg6[%dma_start3A_10] : memref<10000xi32, #tpu.memory_space<vmem>> -> memref<128xi32, #tpu.memory_space<vmem>>
    %dma_start3A_12 = arith.constant 0 : i32
    %dma_start3A_13 = arith.constant 0 : i32
    %dma_start3A_14 = tpu.memref_slice %arg2[%dma_start3A_12, %dma_start3A_13] : memref<10000x64xf32, #tpu.memory_space<hbm>> -> memref<10000x64xf32, #tpu.memory_space<hbm>>
    tpu.enqueue_indirect_dma source(%dma_start3A_14 : memref<10000x64xf32, #tpu.memory_space<hbm>>) target(%arg9 : memref<128x64xf32, #tpu.memory_space<vmem>>) offsets(%dma_start3A_11 : memref<128xi32, #tpu.memory_space<vmem>>) semaphore(%arg15 : memref<!tpu.dma_semaphore, #tpu.memory_space<semaphore_mem>>)
    %dma_wait3A = arith.constant 0 : i32
    %dma_wait3A_15 = tpu.memref_slice %arg6[%dma_wait3A] : memref<10000xi32, #tpu.memory_space<vmem>> -> memref<128xi32, #tpu.memory_space<vmem>>
    %dma_wait3A_16 = arith.constant 0 : i32
    %dma_wait3A_17 = arith.constant 0 : i32
    %dma_wait3A_18 = tpu.memref_slice %arg2[%dma_wait3A_16, %dma_wait3A_17] : memref<10000x64xf32, #tpu.memory_space<hbm>> -> memref<10000x64xf32, #tpu.memory_space<hbm>>
    tpu.wait_indirect_dma semaphore(%arg14 : memref<!tpu.dma_semaphore, #tpu.memory_space<semaphore_mem>>) src(%dma_wait3A_18 : memref<10000x64xf32, #tpu.memory_space<hbm>>) dst(%arg8 : memref<128x64xf32, #tpu.memory_space<vmem>>)
    %dma_start3A_19 = arith.constant 0 : i32
    %dma_start3A_20 = tpu.memref_slice %arg7[%dma_start3A_19] : memref<10000xi32, #tpu.memory_space<vmem>> -> memref<128xi32, #tpu.memory_space<vmem>>
    %dma_start3A_21 = arith.constant 0 : i32
    %dma_start3A_22 = arith.constant 0 : i32
    %dma_start3A_23 = tpu.memref_slice %arg13[%dma_start3A_21, %dma_start3A_22] : memref<10112x64xf32, #tpu.memory_space<vmem_shared>> -> memref<10112x64xf32, #tpu.memory_space<vmem_shared>>
    tpu.enqueue_indirect_dma source(%arg8 : memref<128x64xf32, #tpu.memory_space<vmem>>) target(%dma_start3A_23 : memref<10112x64xf32, #tpu.memory_space<vmem_shared>>) offsets(%dma_start3A_20 : memref<128xi32, #tpu.memory_space<vmem>>) semaphore(%arg18 : memref<!tpu.dma_semaphore, #tpu.memory_space<semaphore_mem>>) {add = true}
    %dma_start3A_24 = arith.constant 256 : i32
    %dma_start3A_25 = tpu.memref_slice %arg6[%dma_start3A_24] : memref<10000xi32, #tpu.memory_space<vmem>> -> memref<128xi32, #tpu.memory_space<vmem>>
    %dma_start3A_26 = arith.constant 0 : i32
    %dma_start3A_27 = arith.constant 0 : i32
    %dma_start3A_28 = tpu.memref_slice %arg2[%dma_start3A_26, %dma_start3A_27] : memref<10000x64xf32, #tpu.memory_space<hbm>> -> memref<10000x64xf32, #tpu.memory_space<hbm>>
    tpu.enqueue_indirect_dma source(%dma_start3A_28 : memref<10000x64xf32, #tpu.memory_space<hbm>>) target(%arg10 : memref<128x64xf32, #tpu.memory_space<vmem>>) offsets(%dma_start3A_25 : memref<128xi32, #tpu.memory_space<vmem>>) semaphore(%arg16 : memref<!tpu.dma_semaphore, #tpu.memory_space<semaphore_mem>>)
    %dma_wait3A_29 = arith.constant 128 : i32
    %dma_wait3A_30 = tpu.memref_slice %arg6[%dma_wait3A_29] : memref<10000xi32, #tpu.memory_space<vmem>> -> memref<128xi32, #tpu.memory_space<vmem>>
    %dma_wait3A_31 = arith.constant 0 : i32
    %dma_wait3A_32 = arith.constant 0 : i32
    %dma_wait3A_33 = tpu.memref_slice %arg2[%dma_wait3A_31, %dma_wait3A_32] : memref<10000x64xf32, #tpu.memory_space<hbm>> -> memref<10000x64xf32, #tpu.memory_space<hbm>>
    tpu.wait_indirect_dma semaphore(%arg15 : memref<!tpu.dma_semaphore, #tpu.memory_space<semaphore_mem>>) src(%dma_wait3A_33 : memref<10000x64xf32, #tpu.memory_space<hbm>>) dst(%arg9 : memref<128x64xf32, #tpu.memory_space<vmem>>)
    %dma_start3A_34 = arith.constant 128 : i32
    %dma_start3A_35 = tpu.memref_slice %arg7[%dma_start3A_34] : memref<10000xi32, #tpu.memory_space<vmem>> -> memref<128xi32, #tpu.memory_space<vmem>>
    %dma_start3A_36 = arith.constant 0 : i32
    %dma_start3A_37 = arith.constant 0 : i32
    %dma_start3A_38 = tpu.memref_slice %arg13[%dma_start3A_36, %dma_start3A_37] : memref<10112x64xf32, #tpu.memory_space<vmem_shared>> -> memref<10112x64xf32, #tpu.memory_space<vmem_shared>>
    tpu.enqueue_indirect_dma source(%arg9 : memref<128x64xf32, #tpu.memory_space<vmem>>) target(%dma_start3A_38 : memref<10112x64xf32, #tpu.memory_space<vmem_shared>>) offsets(%dma_start3A_35 : memref<128xi32, #tpu.memory_space<vmem>>) semaphore(%arg19 : memref<!tpu.dma_semaphore, #tpu.memory_space<semaphore_mem>>) {add = true}
    %dma_start3A_39 = arith.constant 384 : i32
    %dma_start3A_40 = tpu.memref_slice %arg6[%dma_start3A_39] : memref<10000xi32, #tpu.memory_space<vmem>> -> memref<128xi32, #tpu.memory_space<vmem>>
    %dma_start3A_41 = arith.constant 0 : i32
    %dma_start3A_42 = arith.constant 0 : i32
    %dma_start3A_43 = tpu.memref_slice %arg2[%dma_start3A_41, %dma_start3A_42] : memref<10000x64xf32, #tpu.memory_space<hbm>> -> memref<10000x64xf32, #tpu.memory_space<hbm>>
    tpu.enqueue_indirect_dma source(%dma_start3A_43 : memref<10000x64xf32, #tpu.memory_space<hbm>>) target(%arg11 : memref<128x64xf32, #tpu.memory_space<vmem>>) offsets(%dma_start3A_40 : memref<128xi32, #tpu.memory_space<vmem>>) semaphore(%arg17 : memref<!tpu.dma_semaphore, #tpu.memory_space<semaphore_mem>>)
    %scan3A = arith.constant 0 : i32
    %scan3A_44 = arith.constant 18 : i32
    %scan3A_45 = arith.addi %scan3A, %scan3A_44 : i32
    %scan3A_46 = arith.constant 1 : i32
    scf.for %scan3A_139 = %scan3A to %scan3A_45 step %scan3A_46  : i32 {
      %mul3A_140 = arith.constant 1 : i32
      %mul3A_141 = arith.muli %scan3A_139, %mul3A_140 : i32
      %add3A_142 = arith.constant 0 : i32
      %add3A_143 = arith.addi %add3A_142, %mul3A_141 : i32
      %mul3A_144 = arith.constant 4 : i32
      %mul3A_145 = arith.muli %add3A_143, %mul3A_144 : i32
      %add3A_146 = arith.constant 2 : i32
      %add3A_147 = arith.addi %add3A_146, %mul3A_145 : i32
      %add3A_148 = arith.constant 0 : i32
      %add3A_149 = arith.addi %add3A_147, %add3A_148 : i32
      %mul3A_150 = arith.constant 128 : i32
      %mul3A_151 = arith.muli %add3A_149, %mul3A_150 : i32
      %dma_wait3A_152 = tpu.memref_slice %arg6[%mul3A_151] : memref<10000xi32, #tpu.memory_space<vmem>> -> memref<128xi32, #tpu.memory_space<vmem>>
      %dma_wait3A_153 = arith.constant 0 : i32
      %dma_wait3A_154 = arith.constant 0 : i32
      %dma_wait3A_155 = tpu.memref_slice %arg2[%dma_wait3A_153, %dma_wait3A_154] : memref<10000x64xf32, #tpu.memory_space<hbm>> -> memref<10000x64xf32, #tpu.memory_space<hbm>>
      tpu.wait_indirect_dma semaphore(%arg16 : memref<!tpu.dma_semaphore, #tpu.memory_space<semaphore_mem>>) src(%dma_wait3A_155 : memref<10000x64xf32, #tpu.memory_space<hbm>>) dst(%arg10 : memref<128x64xf32, #tpu.memory_space<vmem>>)
      %mul3A_156 = arith.constant 128 : i32
      %mul3A_157 = arith.muli %add3A_149, %mul3A_156 : i32
      %dma_start3A_158 = tpu.memref_slice %arg7[%mul3A_157] : memref<10000xi32, #tpu.memory_space<vmem>> -> memref<128xi32, #tpu.memory_space<vmem>>
      %dma_start3A_159 = arith.constant 0 : i32
      %dma_start3A_160 = arith.constant 0 : i32
      %dma_start3A_161 = tpu.memref_slice %arg13[%dma_start3A_159, %dma_start3A_160] : memref<10112x64xf32, #tpu.memory_space<vmem_shared>> -> memref<10112x64xf32, #tpu.memory_space<vmem_shared>>
      tpu.enqueue_indirect_dma source(%arg10 : memref<128x64xf32, #tpu.memory_space<vmem>>) target(%dma_start3A_161 : memref<10112x64xf32, #tpu.memory_space<vmem_shared>>) offsets(%dma_start3A_158 : memref<128xi32, #tpu.memory_space<vmem>>) semaphore(%arg20 : memref<!tpu.dma_semaphore, #tpu.memory_space<semaphore_mem>>) {add = true}
      %sub3A = arith.constant 2 : i32
      %sub3A_162 = arith.subi %add3A_149, %sub3A : i32
      %mul3A_163 = arith.constant 128 : i32
      %mul3A_164 = arith.muli %sub3A_162, %mul3A_163 : i32
      %dma_wait3A_165 = tpu.memref_slice %arg7[%mul3A_164] : memref<10000xi32, #tpu.memory_space<vmem>> -> memref<128xi32, #tpu.memory_space<vmem>>
      %dma_wait3A_166 = arith.constant 0 : i32
      %dma_wait3A_167 = arith.constant 0 : i32
      %dma_wait3A_168 = tpu.memref_slice %arg13[%dma_wait3A_166, %dma_wait3A_167] : memref<10112x64xf32, #tpu.memory_space<vmem_shared>> -> memref<10112x64xf32, #tpu.memory_space<vmem_shared>>
      tpu.wait_indirect_dma semaphore(%arg18 : memref<!tpu.dma_semaphore, #tpu.memory_space<semaphore_mem>>) src(%arg8 : memref<128x64xf32, #tpu.memory_space<vmem>>) dst(%dma_wait3A_168 : memref<10112x64xf32, #tpu.memory_space<vmem_shared>>)
      %add3A_169 = arith.constant 2 : i32
      %add3A_170 = arith.addi %add3A_149, %add3A_169 : i32
      %mul3A_171 = arith.constant 128 : i32
      %mul3A_172 = arith.muli %add3A_170, %mul3A_171 : i32
      %dma_start3A_173 = tpu.memref_slice %arg6[%mul3A_172] : memref<10000xi32, #tpu.memory_space<vmem>> -> memref<128xi32, #tpu.memory_space<vmem>>
      %dma_start3A_174 = arith.constant 0 : i32
      %dma_start3A_175 = arith.constant 0 : i32
      %dma_start3A_176 = tpu.memref_slice %arg2[%dma_start3A_174, %dma_start3A_175] : memref<10000x64xf32, #tpu.memory_space<hbm>> -> memref<10000x64xf32, #tpu.memory_space<hbm>>
      tpu.enqueue_indirect_dma source(%dma_start3A_176 : memref<10000x64xf32, #tpu.memory_space<hbm>>) target(%arg8 : memref<128x64xf32, #tpu.memory_space<vmem>>) offsets(%dma_start3A_173 : memref<128xi32, #tpu.memory_space<vmem>>) semaphore(%arg14 : memref<!tpu.dma_semaphore, #tpu.memory_space<semaphore_mem>>)
      %add3A_177 = arith.constant 1 : i32
      %add3A_178 = arith.addi %add3A_147, %add3A_177 : i32
      %mul3A_179 = arith.constant 128 : i32
      %mul3A_180 = arith.muli %add3A_178, %mul3A_179 : i32
      %dma_wait3A_181 = tpu.memref_slice %arg6[%mul3A_180] : memref<10000xi32, #tpu.memory_space<vmem>> -> memref<128xi32, #tpu.memory_space<vmem>>
      %dma_wait3A_182 = arith.constant 0 : i32
      %dma_wait3A_183 = arith.constant 0 : i32
      %dma_wait3A_184 = tpu.memref_slice %arg2[%dma_wait3A_182, %dma_wait3A_183] : memref<10000x64xf32, #tpu.memory_space<hbm>> -> memref<10000x64xf32, #tpu.memory_space<hbm>>
      tpu.wait_indirect_dma semaphore(%arg17 : memref<!tpu.dma_semaphore, #tpu.memory_space<semaphore_mem>>) src(%dma_wait3A_184 : memref<10000x64xf32, #tpu.memory_space<hbm>>) dst(%arg11 : memref<128x64xf32, #tpu.memory_space<vmem>>)
      %mul3A_185 = arith.constant 128 : i32
      %mul3A_186 = arith.muli %add3A_178, %mul3A_185 : i32
      %dma_start3A_187 = tpu.memref_slice %arg7[%mul3A_186] : memref<10000xi32, #tpu.memory_space<vmem>> -> memref<128xi32, #tpu.memory_space<vmem>>
      %dma_start3A_188 = arith.constant 0 : i32
      %dma_start3A_189 = arith.constant 0 : i32
      %dma_start3A_190 = tpu.memref_slice %arg13[%dma_start3A_188, %dma_start3A_189] : memref<10112x64xf32, #tpu.memory_space<vmem_shared>> -> memref<10112x64xf32, #tpu.memory_space<vmem_shared>>
      tpu.enqueue_indirect_dma source(%arg11 : memref<128x64xf32, #tpu.memory_space<vmem>>) target(%dma_start3A_190 : memref<10112x64xf32, #tpu.memory_space<vmem_shared>>) offsets(%dma_start3A_187 : memref<128xi32, #tpu.memory_space<vmem>>) semaphore(%arg21 : memref<!tpu.dma_semaphore, #tpu.memory_space<semaphore_mem>>) {add = true}
      %sub3A_191 = arith.constant 2 : i32
      %sub3A_192 = arith.subi %add3A_178, %sub3A_191 : i32
      %mul3A_193 = arith.constant 128 : i32
      %mul3A_194 = arith.muli %sub3A_192, %mul3A_193 : i32
      %dma_wait3A_195 = tpu.memref_slice %arg7[%mul3A_194] : memref<10000xi32, #tpu.memory_space<vmem>> -> memref<128xi32, #tpu.memory_space<vmem>>
      %dma_wait3A_196 = arith.constant 0 : i32
      %dma_wait3A_197 = arith.constant 0 : i32
      %dma_wait3A_198 = tpu.memref_slice %arg13[%dma_wait3A_196, %dma_wait3A_197] : memref<10112x64xf32, #tpu.memory_space<vmem_shared>> -> memref<10112x64xf32, #tpu.memory_space<vmem_shared>>
      tpu.wait_indirect_dma semaphore(%arg19 : memref<!tpu.dma_semaphore, #tpu.memory_space<semaphore_mem>>) src(%arg9 : memref<128x64xf32, #tpu.memory_space<vmem>>) dst(%dma_wait3A_198 : memref<10112x64xf32, #tpu.memory_space<vmem_shared>>)
      %add3A_199 = arith.constant 2 : i32
      %add3A_200 = arith.addi %add3A_178, %add3A_199 : i32
      %mul3A_201 = arith.constant 128 : i32
      %mul3A_202 = arith.muli %add3A_200, %mul3A_201 : i32
      %dma_start3A_203 = tpu.memref_slice %arg6[%mul3A_202] : memref<10000xi32, #tpu.memory_space<vmem>> -> memref<128xi32, #tpu.memory_space<vmem>>
      %dma_start3A_204 = arith.constant 0 : i32
      %dma_start3A_205 = arith.constant 0 : i32
      %dma_start3A_206 = tpu.memref_slice %arg2[%dma_start3A_204, %dma_start3A_205] : memref<10000x64xf32, #tpu.memory_space<hbm>> -> memref<10000x64xf32, #tpu.memory_space<hbm>>
      tpu.enqueue_indirect_dma source(%dma_start3A_206 : memref<10000x64xf32, #tpu.memory_space<hbm>>) target(%arg9 : memref<128x64xf32, #tpu.memory_space<vmem>>) offsets(%dma_start3A_203 : memref<128xi32, #tpu.memory_space<vmem>>) semaphore(%arg15 : memref<!tpu.dma_semaphore, #tpu.memory_space<semaphore_mem>>)
      %add3A_207 = arith.constant 2 : i32
      %add3A_208 = arith.addi %add3A_147, %add3A_207 : i32
      %mul3A_209 = arith.constant 128 : i32
      %mul3A_210 = arith.muli %add3A_208, %mul3A_209 : i32
      %dma_wait3A_211 = tpu.memref_slice %arg6[%mul3A_210] : memref<10000xi32, #tpu.memory_space<vmem>> -> memref<128xi32, #tpu.memory_space<vmem>>
      %dma_wait3A_212 = arith.constant 0 : i32
      %dma_wait3A_213 = arith.constant 0 : i32
      %dma_wait3A_214 = tpu.memref_slice %arg2[%dma_wait3A_212, %dma_wait3A_213] : memref<10000x64xf32, #tpu.memory_space<hbm>> -> memref<10000x64xf32, #tpu.memory_space<hbm>>
      tpu.wait_indirect_dma semaphore(%arg14 : memref<!tpu.dma_semaphore, #tpu.memory_space<semaphore_mem>>) src(%dma_wait3A_214 : memref<10000x64xf32, #tpu.memory_space<hbm>>) dst(%arg8 : memref<128x64xf32, #tpu.memory_space<vmem>>)
      %mul3A_215 = arith.constant 128 : i32
      %mul3A_216 = arith.muli %add3A_208, %mul3A_215 : i32
      %dma_start3A_217 = tpu.memref_slice %arg7[%mul3A_216] : memref<10000xi32, #tpu.memory_space<vmem>> -> memref<128xi32, #tpu.memory_space<vmem>>
      %dma_start3A_218 = arith.constant 0 : i32
      %dma_start3A_219 = arith.constant 0 : i32
      %dma_start3A_220 = tpu.memref_slice %arg13[%dma_start3A_218, %dma_start3A_219] : memref<10112x64xf32, #tpu.memory_space<vmem_shared>> -> memref<10112x64xf32, #tpu.memory_space<vmem_shared>>
      tpu.enqueue_indirect_dma source(%arg8 : memref<128x64xf32, #tpu.memory_space<vmem>>) target(%dma_start3A_220 : memref<10112x64xf32, #tpu.memory_space<vmem_shared>>) offsets(%dma_start3A_217 : memref<128xi32, #tpu.memory_space<vmem>>) semaphore(%arg18 : memref<!tpu.dma_semaphore, #tpu.memory_space<semaphore_mem>>) {add = true}
      %sub3A_221 = arith.constant 2 : i32
      %sub3A_222 = arith.subi %add3A_208, %sub3A_221 : i32
      %mul3A_223 = arith.constant 128 : i32
      %mul3A_224 = arith.muli %sub3A_222, %mul3A_223 : i32
      %dma_wait3A_225 = tpu.memref_slice %arg7[%mul3A_224] : memref<10000xi32, #tpu.memory_space<vmem>> -> memref<128xi32, #tpu.memory_space<vmem>>
      %dma_wait3A_226 = arith.constant 0 : i32
      %dma_wait3A_227 = arith.constant 0 : i32
      %dma_wait3A_228 = tpu.memref_slice %arg13[%dma_wait3A_226, %dma_wait3A_227] : memref<10112x64xf32, #tpu.memory_space<vmem_shared>> -> memref<10112x64xf32, #tpu.memory_space<vmem_shared>>
      tpu.wait_indirect_dma semaphore(%arg20 : memref<!tpu.dma_semaphore, #tpu.memory_space<semaphore_mem>>) src(%arg10 : memref<128x64xf32, #tpu.memory_space<vmem>>) dst(%dma_wait3A_228 : memref<10112x64xf32, #tpu.memory_space<vmem_shared>>)
      %add3A_229 = arith.constant 2 : i32
      %add3A_230 = arith.addi %add3A_208, %add3A_229 : i32
      %mul3A_231 = arith.constant 128 : i32
      %mul3A_232 = arith.muli %add3A_230, %mul3A_231 : i32
      %dma_start3A_233 = tpu.memref_slice %arg6[%mul3A_232] : memref<10000xi32, #tpu.memory_space<vmem>> -> memref<128xi32, #tpu.memory_space<vmem>>
      %dma_start3A_234 = arith.constant 0 : i32
      %dma_start3A_235 = arith.constant 0 : i32
      %dma_start3A_236 = tpu.memref_slice %arg2[%dma_start3A_234, %dma_start3A_235] : memref<10000x64xf32, #tpu.memory_space<hbm>> -> memref<10000x64xf32, #tpu.memory_space<hbm>>
      tpu.enqueue_indirect_dma source(%dma_start3A_236 : memref<10000x64xf32, #tpu.memory_space<hbm>>) target(%arg10 : memref<128x64xf32, #tpu.memory_space<vmem>>) offsets(%dma_start3A_233 : memref<128xi32, #tpu.memory_space<vmem>>) semaphore(%arg16 : memref<!tpu.dma_semaphore, #tpu.memory_space<semaphore_mem>>)
      %add3A_237 = arith.constant 3 : i32
      %add3A_238 = arith.addi %add3A_147, %add3A_237 : i32
      %mul3A_239 = arith.constant 128 : i32
      %mul3A_240 = arith.muli %add3A_238, %mul3A_239 : i32
      %dma_wait3A_241 = tpu.memref_slice %arg6[%mul3A_240] : memref<10000xi32, #tpu.memory_space<vmem>> -> memref<128xi32, #tpu.memory_space<vmem>>
      %dma_wait3A_242 = arith.constant 0 : i32
      %dma_wait3A_243 = arith.constant 0 : i32
      %dma_wait3A_244 = tpu.memref_slice %arg2[%dma_wait3A_242, %dma_wait3A_243] : memref<10000x64xf32, #tpu.memory_space<hbm>> -> memref<10000x64xf32, #tpu.memory_space<hbm>>
      tpu.wait_indirect_dma semaphore(%arg15 : memref<!tpu.dma_semaphore, #tpu.memory_space<semaphore_mem>>) src(%dma_wait3A_244 : memref<10000x64xf32, #tpu.memory_space<hbm>>) dst(%arg9 : memref<128x64xf32, #tpu.memory_space<vmem>>)
      %mul3A_245 = arith.constant 128 : i32
      %mul3A_246 = arith.muli %add3A_238, %mul3A_245 : i32
      %dma_start3A_247 = tpu.memref_slice %arg7[%mul3A_246] : memref<10000xi32, #tpu.memory_space<vmem>> -> memref<128xi32, #tpu.memory_space<vmem>>
      %dma_start3A_248 = arith.constant 0 : i32
      %dma_start3A_249 = arith.constant 0 : i32
      %dma_start3A_250 = tpu.memref_slice %arg13[%dma_start3A_248, %dma_start3A_249] : memref<10112x64xf32, #tpu.memory_space<vmem_shared>> -> memref<10112x64xf32, #tpu.memory_space<vmem_shared>>
      tpu.enqueue_indirect_dma source(%arg9 : memref<128x64xf32, #tpu.memory_space<vmem>>) target(%dma_start3A_250 : memref<10112x64xf32, #tpu.memory_space<vmem_shared>>) offsets(%dma_start3A_247 : memref<128xi32, #tpu.memory_space<vmem>>) semaphore(%arg19 : memref<!tpu.dma_semaphore, #tpu.memory_space<semaphore_mem>>) {add = true}
      %sub3A_251 = arith.constant 2 : i32
      %sub3A_252 = arith.subi %add3A_238, %sub3A_251 : i32
      %mul3A_253 = arith.constant 128 : i32
      %mul3A_254 = arith.muli %sub3A_252, %mul3A_253 : i32
      %dma_wait3A_255 = tpu.memref_slice %arg7[%mul3A_254] : memref<10000xi32, #tpu.memory_space<vmem>> -> memref<128xi32, #tpu.memory_space<vmem>>
      %dma_wait3A_256 = arith.constant 0 : i32
      %dma_wait3A_257 = arith.constant 0 : i32
      %dma_wait3A_258 = tpu.memref_slice %arg13[%dma_wait3A_256, %dma_wait3A_257] : memref<10112x64xf32, #tpu.memory_space<vmem_shared>> -> memref<10112x64xf32, #tpu.memory_space<vmem_shared>>
      tpu.wait_indirect_dma semaphore(%arg21 : memref<!tpu.dma_semaphore, #tpu.memory_space<semaphore_mem>>) src(%arg11 : memref<128x64xf32, #tpu.memory_space<vmem>>) dst(%dma_wait3A_258 : memref<10112x64xf32, #tpu.memory_space<vmem_shared>>)
      %add3A_259 = arith.constant 2 : i32
      %add3A_260 = arith.addi %add3A_238, %add3A_259 : i32
      %mul3A_261 = arith.constant 128 : i32
      %mul3A_262 = arith.muli %add3A_260, %mul3A_261 : i32
      %dma_start3A_263 = tpu.memref_slice %arg6[%mul3A_262] : memref<10000xi32, #tpu.memory_space<vmem>> -> memref<128xi32, #tpu.memory_space<vmem>>
      %dma_start3A_264 = arith.constant 0 : i32
      %dma_start3A_265 = arith.constant 0 : i32
      %dma_start3A_266 = tpu.memref_slice %arg2[%dma_start3A_264, %dma_start3A_265] : memref<10000x64xf32, #tpu.memory_space<hbm>> -> memref<10000x64xf32, #tpu.memory_space<hbm>>
      tpu.enqueue_indirect_dma source(%dma_start3A_266 : memref<10000x64xf32, #tpu.memory_space<hbm>>) target(%arg11 : memref<128x64xf32, #tpu.memory_space<vmem>>) offsets(%dma_start3A_263 : memref<128xi32, #tpu.memory_space<vmem>>) semaphore(%arg17 : memref<!tpu.dma_semaphore, #tpu.memory_space<semaphore_mem>>)
    }
    %scan3A_47 = arith.constant 18 : i32
    %dma_wait3A_48 = arith.constant 9472 : i32
    %dma_wait3A_49 = tpu.memref_slice %arg6[%dma_wait3A_48] : memref<10000xi32, #tpu.memory_space<vmem>> -> memref<128xi32, #tpu.memory_space<vmem>>
    %dma_wait3A_50 = arith.constant 0 : i32
    %dma_wait3A_51 = arith.constant 0 : i32
    %dma_wait3A_52 = tpu.memref_slice %arg2[%dma_wait3A_50, %dma_wait3A_51] : memref<10000x64xf32, #tpu.memory_space<hbm>> -> memref<10000x64xf32, #tpu.memory_space<hbm>>
    tpu.wait_indirect_dma semaphore(%arg16 : memref<!tpu.dma_semaphore, #tpu.memory_space<semaphore_mem>>) src(%dma_wait3A_52 : memref<10000x64xf32, #tpu.memory_space<hbm>>) dst(%arg10 : memref<128x64xf32, #tpu.memory_space<vmem>>)
    %dma_start3A_53 = arith.constant 9472 : i32
    %dma_start3A_54 = tpu.memref_slice %arg7[%dma_start3A_53] : memref<10000xi32, #tpu.memory_space<vmem>> -> memref<128xi32, #tpu.memory_space<vmem>>
    %dma_start3A_55 = arith.constant 0 : i32
    %dma_start3A_56 = arith.constant 0 : i32
    %dma_start3A_57 = tpu.memref_slice %arg13[%dma_start3A_55, %dma_start3A_56] : memref<10112x64xf32, #tpu.memory_space<vmem_shared>> -> memref<10112x64xf32, #tpu.memory_space<vmem_shared>>
    tpu.enqueue_indirect_dma source(%arg10 : memref<128x64xf32, #tpu.memory_space<vmem>>) target(%dma_start3A_57 : memref<10112x64xf32, #tpu.memory_space<vmem_shared>>) offsets(%dma_start3A_54 : memref<128xi32, #tpu.memory_space<vmem>>) semaphore(%arg20 : memref<!tpu.dma_semaphore, #tpu.memory_space<semaphore_mem>>) {add = true}
    %dma_wait3A_58 = arith.constant 9216 : i32
    %dma_wait3A_59 = tpu.memref_slice %arg7[%dma_wait3A_58] : memref<10000xi32, #tpu.memory_space<vmem>> -> memref<128xi32, #tpu.memory_space<vmem>>
    %dma_wait3A_60 = arith.constant 0 : i32
    %dma_wait3A_61 = arith.constant 0 : i32
    %dma_wait3A_62 = tpu.memref_slice %arg13[%dma_wait3A_60, %dma_wait3A_61] : memref<10112x64xf32, #tpu.memory_space<vmem_shared>> -> memref<10112x64xf32, #tpu.memory_space<vmem_shared>>
    tpu.wait_indirect_dma semaphore(%arg18 : memref<!tpu.dma_semaphore, #tpu.memory_space<semaphore_mem>>) src(%arg8 : memref<128x64xf32, #tpu.memory_space<vmem>>) dst(%dma_wait3A_62 : memref<10112x64xf32, #tpu.memory_space<vmem_shared>>)
    %dma_start3A_63 = arith.constant 9728 : i32
    %dma_start3A_64 = tpu.memref_slice %arg6[%dma_start3A_63] : memref<10000xi32, #tpu.memory_space<vmem>> -> memref<128xi32, #tpu.memory_space<vmem>>
    %dma_start3A_65 = arith.constant 0 : i32
    %dma_start3A_66 = arith.constant 0 : i32
    %dma_start3A_67 = tpu.memref_slice %arg2[%dma_start3A_65, %dma_start3A_66] : memref<10000x64xf32, #tpu.memory_space<hbm>> -> memref<10000x64xf32, #tpu.memory_space<hbm>>
    tpu.enqueue_indirect_dma source(%dma_start3A_67 : memref<10000x64xf32, #tpu.memory_space<hbm>>) target(%arg8 : memref<128x64xf32, #tpu.memory_space<vmem>>) offsets(%dma_start3A_64 : memref<128xi32, #tpu.memory_space<vmem>>) semaphore(%arg14 : memref<!tpu.dma_semaphore, #tpu.memory_space<semaphore_mem>>)
    %dma_wait3A_68 = arith.constant 9600 : i32
    %dma_wait3A_69 = tpu.memref_slice %arg6[%dma_wait3A_68] : memref<10000xi32, #tpu.memory_space<vmem>> -> memref<128xi32, #tpu.memory_space<vmem>>
    %dma_wait3A_70 = arith.constant 0 : i32
    %dma_wait3A_71 = arith.constant 0 : i32
    %dma_wait3A_72 = tpu.memref_slice %arg2[%dma_wait3A_70, %dma_wait3A_71] : memref<10000x64xf32, #tpu.memory_space<hbm>> -> memref<10000x64xf32, #tpu.memory_space<hbm>>
    tpu.wait_indirect_dma semaphore(%arg17 : memref<!tpu.dma_semaphore, #tpu.memory_space<semaphore_mem>>) src(%dma_wait3A_72 : memref<10000x64xf32, #tpu.memory_space<hbm>>) dst(%arg11 : memref<128x64xf32, #tpu.memory_space<vmem>>)
    %dma_start3A_73 = arith.constant 9600 : i32
    %dma_start3A_74 = tpu.memref_slice %arg7[%dma_start3A_73] : memref<10000xi32, #tpu.memory_space<vmem>> -> memref<128xi32, #tpu.memory_space<vmem>>
    %dma_start3A_75 = arith.constant 0 : i32
    %dma_start3A_76 = arith.constant 0 : i32
    %dma_start3A_77 = tpu.memref_slice %arg13[%dma_start3A_75, %dma_start3A_76] : memref<10112x64xf32, #tpu.memory_space<vmem_shared>> -> memref<10112x64xf32, #tpu.memory_space<vmem_shared>>
    tpu.enqueue_indirect_dma source(%arg11 : memref<128x64xf32, #tpu.memory_space<vmem>>) target(%dma_start3A_77 : memref<10112x64xf32, #tpu.memory_space<vmem_shared>>) offsets(%dma_start3A_74 : memref<128xi32, #tpu.memory_space<vmem>>) semaphore(%arg21 : memref<!tpu.dma_semaphore, #tpu.memory_space<semaphore_mem>>) {add = true}
    %dma_wait3A_78 = arith.constant 9344 : i32
    %dma_wait3A_79 = tpu.memref_slice %arg7[%dma_wait3A_78] : memref<10000xi32, #tpu.memory_space<vmem>> -> memref<128xi32, #tpu.memory_space<vmem>>
    %dma_wait3A_80 = arith.constant 0 : i32
    %dma_wait3A_81 = arith.constant 0 : i32
    %dma_wait3A_82 = tpu.memref_slice %arg13[%dma_wait3A_80, %dma_wait3A_81] : memref<10112x64xf32, #tpu.memory_space<vmem_shared>> -> memref<10112x64xf32, #tpu.memory_space<vmem_shared>>
    tpu.wait_indirect_dma semaphore(%arg19 : memref<!tpu.dma_semaphore, #tpu.memory_space<semaphore_mem>>) src(%arg9 : memref<128x64xf32, #tpu.memory_space<vmem>>) dst(%dma_wait3A_82 : memref<10112x64xf32, #tpu.memory_space<vmem_shared>>)
    %dma_start3A_83 = arith.constant 9856 : i32
    %dma_start3A_84 = tpu.memref_slice %arg6[%dma_start3A_83] : memref<10000xi32, #tpu.memory_space<vmem>> -> memref<128xi32, #tpu.memory_space<vmem>>
    %dma_start3A_85 = arith.constant 0 : i32
    %dma_start3A_86 = arith.constant 0 : i32
    %dma_start3A_87 = tpu.memref_slice %arg2[%dma_start3A_85, %dma_start3A_86] : memref<10000x64xf32, #tpu.memory_space<hbm>> -> memref<10000x64xf32, #tpu.memory_space<hbm>>
    tpu.enqueue_indirect_dma source(%dma_start3A_87 : memref<10000x64xf32, #tpu.memory_space<hbm>>) target(%arg9 : memref<128x64xf32, #tpu.memory_space<vmem>>) offsets(%dma_start3A_84 : memref<128xi32, #tpu.memory_space<vmem>>) semaphore(%arg15 : memref<!tpu.dma_semaphore, #tpu.memory_space<semaphore_mem>>)
    %dma_wait3A_88 = arith.constant 9728 : i32
    %dma_wait3A_89 = tpu.memref_slice %arg6[%dma_wait3A_88] : memref<10000xi32, #tpu.memory_space<vmem>> -> memref<128xi32, #tpu.memory_space<vmem>>
    %dma_wait3A_90 = arith.constant 0 : i32
    %dma_wait3A_91 = arith.constant 0 : i32
    %dma_wait3A_92 = tpu.memref_slice %arg2[%dma_wait3A_90, %dma_wait3A_91] : memref<10000x64xf32, #tpu.memory_space<hbm>> -> memref<10000x64xf32, #tpu.memory_space<hbm>>
    tpu.wait_indirect_dma semaphore(%arg14 : memref<!tpu.dma_semaphore, #tpu.memory_space<semaphore_mem>>) src(%dma_wait3A_92 : memref<10000x64xf32, #tpu.memory_space<hbm>>) dst(%arg8 : memref<128x64xf32, #tpu.memory_space<vmem>>)
    %dma_start3A_93 = arith.constant 9728 : i32
    %dma_start3A_94 = tpu.memref_slice %arg7[%dma_start3A_93] : memref<10000xi32, #tpu.memory_space<vmem>> -> memref<128xi32, #tpu.memory_space<vmem>>
    %dma_start3A_95 = arith.constant 0 : i32
    %dma_start3A_96 = arith.constant 0 : i32
    %dma_start3A_97 = tpu.memref_slice %arg13[%dma_start3A_95, %dma_start3A_96] : memref<10112x64xf32, #tpu.memory_space<vmem_shared>> -> memref<10112x64xf32, #tpu.memory_space<vmem_shared>>
    tpu.enqueue_indirect_dma source(%arg8 : memref<128x64xf32, #tpu.memory_space<vmem>>) target(%dma_start3A_97 : memref<10112x64xf32, #tpu.memory_space<vmem_shared>>) offsets(%dma_start3A_94 : memref<128xi32, #tpu.memory_space<vmem>>) semaphore(%arg18 : memref<!tpu.dma_semaphore, #tpu.memory_space<semaphore_mem>>) {add = true}
    %dma_wait3A_98 = arith.constant 9472 : i32
    %dma_wait3A_99 = tpu.memref_slice %arg7[%dma_wait3A_98] : memref<10000xi32, #tpu.memory_space<vmem>> -> memref<128xi32, #tpu.memory_space<vmem>>
    %dma_wait3A_100 = arith.constant 0 : i32
    %dma_wait3A_101 = arith.constant 0 : i32
    %dma_wait3A_102 = tpu.memref_slice %arg13[%dma_wait3A_100, %dma_wait3A_101] : memref<10112x64xf32, #tpu.memory_space<vmem_shared>> -> memref<10112x64xf32, #tpu.memory_space<vmem_shared>>
    tpu.wait_indirect_dma semaphore(%arg20 : memref<!tpu.dma_semaphore, #tpu.memory_space<semaphore_mem>>) src(%arg10 : memref<128x64xf32, #tpu.memory_space<vmem>>) dst(%dma_wait3A_102 : memref<10112x64xf32, #tpu.memory_space<vmem_shared>>)
    %dma_start3A_103 = arith.constant 9984 : i32
    %dma_start3A_104 = tpu.memref_slice %arg6[%dma_start3A_103] : memref<10000xi32, #tpu.memory_space<vmem>> -> memref<16xi32, #tpu.memory_space<vmem>>
    %dma_start3A_105 = arith.constant 0 : i32
    %dma_start3A_106 = arith.constant 0 : i32
    %dma_start3A_107 = tpu.memref_slice %arg2[%dma_start3A_105, %dma_start3A_106] : memref<10000x64xf32, #tpu.memory_space<hbm>> -> memref<10000x64xf32, #tpu.memory_space<hbm>>
    tpu.enqueue_indirect_dma source(%dma_start3A_107 : memref<10000x64xf32, #tpu.memory_space<hbm>>) target(%arg12 : memref<16x64xf32, #tpu.memory_space<vmem>>) offsets(%dma_start3A_104 : memref<16xi32, #tpu.memory_space<vmem>>) semaphore(%arg16 : memref<!tpu.dma_semaphore, #tpu.memory_space<semaphore_mem>>)
    %dma_wait3A_108 = arith.constant 9856 : i32
    %dma_wait3A_109 = tpu.memref_slice %arg6[%dma_wait3A_108] : memref<10000xi32, #tpu.memory_space<vmem>> -> memref<128xi32, #tpu.memory_space<vmem>>
    %dma_wait3A_110 = arith.constant 0 : i32
    %dma_wait3A_111 = arith.constant 0 : i32
    %dma_wait3A_112 = tpu.memref_slice %arg2[%dma_wait3A_110, %dma_wait3A_111] : memref<10000x64xf32, #tpu.memory_space<hbm>> -> memref<10000x64xf32, #tpu.memory_space<hbm>>
    tpu.wait_indirect_dma semaphore(%arg15 : memref<!tpu.dma_semaphore, #tpu.memory_space<semaphore_mem>>) src(%dma_wait3A_112 : memref<10000x64xf32, #tpu.memory_space<hbm>>) dst(%arg9 : memref<128x64xf32, #tpu.memory_space<vmem>>)
    %dma_start3A_113 = arith.constant 9856 : i32
    %dma_start3A_114 = tpu.memref_slice %arg7[%dma_start3A_113] : memref<10000xi32, #tpu.memory_space<vmem>> -> memref<128xi32, #tpu.memory_space<vmem>>
    %dma_start3A_115 = arith.constant 0 : i32
    %dma_start3A_116 = arith.constant 0 : i32
    %dma_start3A_117 = tpu.memref_slice %arg13[%dma_start3A_115, %dma_start3A_116] : memref<10112x64xf32, #tpu.memory_space<vmem_shared>> -> memref<10112x64xf32, #tpu.memory_space<vmem_shared>>
    tpu.enqueue_indirect_dma source(%arg9 : memref<128x64xf32, #tpu.memory_space<vmem>>) target(%dma_start3A_117 : memref<10112x64xf32, #tpu.memory_space<vmem_shared>>) offsets(%dma_start3A_114 : memref<128xi32, #tpu.memory_space<vmem>>) semaphore(%arg19 : memref<!tpu.dma_semaphore, #tpu.memory_space<semaphore_mem>>) {add = true}
    %dma_wait3A_118 = arith.constant 9600 : i32
    %dma_wait3A_119 = tpu.memref_slice %arg7[%dma_wait3A_118] : memref<10000xi32, #tpu.memory_space<vmem>> -> memref<128xi32, #tpu.memory_space<vmem>>
    %dma_wait3A_120 = arith.constant 0 : i32
    %dma_wait3A_121 = arith.constant 0 : i32
    %dma_wait3A_122 = tpu.memref_slice %arg13[%dma_wait3A_120, %dma_wait3A_121] : memref<10112x64xf32, #tpu.memory_space<vmem_shared>> -> memref<10112x64xf32, #tpu.memory_space<vmem_shared>>
    tpu.wait_indirect_dma semaphore(%arg21 : memref<!tpu.dma_semaphore, #tpu.memory_space<semaphore_mem>>) src(%arg11 : memref<128x64xf32, #tpu.memory_space<vmem>>) dst(%dma_wait3A_122 : memref<10112x64xf32, #tpu.memory_space<vmem_shared>>)
    %dma_wait3A_123 = arith.constant 9984 : i32
    %dma_wait3A_124 = tpu.memref_slice %arg6[%dma_wait3A_123] : memref<10000xi32, #tpu.memory_space<vmem>> -> memref<16xi32, #tpu.memory_space<vmem>>
    %dma_wait3A_125 = arith.constant 0 : i32
    %dma_wait3A_126 = arith.constant 0 : i32
    %dma_wait3A_127 = tpu.memref_slice %arg2[%dma_wait3A_125, %dma_wait3A_126] : memref<10000x64xf32, #tpu.memory_space<hbm>> -> memref<10000x64xf32, #tpu.memory_space<hbm>>
    tpu.wait_indirect_dma semaphore(%arg16 : memref<!tpu.dma_semaphore, #tpu.memory_space<semaphore_mem>>) src(%dma_wait3A_127 : memref<10000x64xf32, #tpu.memory_space<hbm>>) dst(%arg12 : memref<16x64xf32, #tpu.memory_space<vmem>>)
    "tpu.region"() ({
      %run_scoped3A_139 = tpu.sem_alloc : memref<!tpu.dma_semaphore, #tpu.memory_space<semaphore_mem>>
      %dma_start3A_140 = arith.constant 9984 : i32
      %dma_start3A_141 = tpu.memref_slice %arg7[%dma_start3A_140] : memref<10000xi32, #tpu.memory_space<vmem>> -> memref<16xi32, #tpu.memory_space<vmem>>
      %dma_start3A_142 = arith.constant 0 : i32
      %dma_start3A_143 = arith.constant 0 : i32
      %dma_start3A_144 = tpu.memref_slice %arg13[%dma_start3A_142, %dma_start3A_143] : memref<10112x64xf32, #tpu.memory_space<vmem_shared>> -> memref<10112x64xf32, #tpu.memory_space<vmem_shared>>
      tpu.enqueue_indirect_dma source(%arg12 : memref<16x64xf32, #tpu.memory_space<vmem>>) target(%dma_start3A_144 : memref<10112x64xf32, #tpu.memory_space<vmem_shared>>) offsets(%dma_start3A_141 : memref<16xi32, #tpu.memory_space<vmem>>) semaphore(%run_scoped3A_139 : memref<!tpu.dma_semaphore, #tpu.memory_space<semaphore_mem>>) {add = true}
      %dma_wait3A_145 = arith.constant 9984 : i32
      %dma_wait3A_146 = tpu.memref_slice %arg7[%dma_wait3A_145] : memref<10000xi32, #tpu.memory_space<vmem>> -> memref<16xi32, #tpu.memory_space<vmem>>
      %dma_wait3A_147 = arith.constant 0 : i32
      %dma_wait3A_148 = arith.constant 0 : i32
      %dma_wait3A_149 = tpu.memref_slice %arg13[%dma_wait3A_147, %dma_wait3A_148] : memref<10112x64xf32, #tpu.memory_space<vmem_shared>> -> memref<10112x64xf32, #tpu.memory_space<vmem_shared>>
      tpu.wait_indirect_dma semaphore(%run_scoped3A_139 : memref<!tpu.dma_semaphore, #tpu.memory_space<semaphore_mem>>) src(%arg12 : memref<16x64xf32, #tpu.memory_space<vmem>>) dst(%dma_wait3A_149 : memref<10112x64xf32, #tpu.memory_space<vmem_shared>>)
      tpu.yield
    }) : () -> ()
    %dma_wait3A_128 = arith.constant 9728 : i32
    %dma_wait3A_129 = tpu.memref_slice %arg7[%dma_wait3A_128] : memref<10000xi32, #tpu.memory_space<vmem>> -> memref<128xi32, #tpu.memory_space<vmem>>
    %dma_wait3A_130 = arith.constant 0 : i32
    %dma_wait3A_131 = arith.constant 0 : i32
    %dma_wait3A_132 = tpu.memref_slice %arg13[%dma_wait3A_130, %dma_wait3A_131] : memref<10112x64xf32, #tpu.memory_space<vmem_shared>> -> memref<10112x64xf32, #tpu.memory_space<vmem_shared>>
    tpu.wait_indirect_dma semaphore(%arg18 : memref<!tpu.dma_semaphore, #tpu.memory_space<semaphore_mem>>) src(%arg8 : memref<128x64xf32, #tpu.memory_space<vmem>>) dst(%dma_wait3A_132 : memref<10112x64xf32, #tpu.memory_space<vmem_shared>>)
    %dma_wait3A_133 = arith.constant 9856 : i32
    %dma_wait3A_134 = tpu.memref_slice %arg7[%dma_wait3A_133] : memref<10000xi32, #tpu.memory_space<vmem>> -> memref<128xi32, #tpu.memory_space<vmem>>
    %dma_wait3A_135 = arith.constant 0 : i32
    %dma_wait3A_136 = arith.constant 0 : i32
    %dma_wait3A_137 = tpu.memref_slice %arg13[%dma_wait3A_135, %dma_wait3A_136] : memref<10112x64xf32, #tpu.memory_space<vmem_shared>> -> memref<10112x64xf32, #tpu.memory_space<vmem_shared>>
    tpu.wait_indirect_dma semaphore(%arg19 : memref<!tpu.dma_semaphore, #tpu.memory_space<semaphore_mem>>) src(%arg9 : memref<128x64xf32, #tpu.memory_space<vmem>>) dst(%dma_wait3A_137 : memref<10112x64xf32, #tpu.memory_space<vmem_shared>>)
    %barrier3A_138 = arith.constant 0 : index
    tpu.barrier barrier_id(%barrier3A_138)
    "tpu.region"() ({
      %run_scoped3A_139 = tpu.sem_alloc : memref<!tpu.dma_semaphore, #tpu.memory_space<semaphore_mem>>
      %dma_start3A_140 = arith.constant 0 : i32
      %dma_start3A_141 = arith.constant 0 : i32
      %dma_start3A_142 = tpu.memref_slice %arg5[%arg0, %dma_start3A_140, %dma_start3A_141] : memref<2x10112x64xf32, #tpu.memory_space<hbm>> -> memref<1x10112x64xf32, #tpu.memory_space<hbm>>
      %dma_start3A_143 = tpu.memref_squeeze %dma_start3A_142 : memref<1x10112x64xf32, #tpu.memory_space<hbm>> -> memref<10112x64xf32, #tpu.memory_space<hbm>>
      %dma_start3A_144 = arith.constant 0 : i32
      %dma_start3A_145 = tpu.memref_slice %dma_start3A_143[%mul3A_2, %dma_start3A_144] : memref<10112x64xf32, #tpu.memory_space<hbm>> -> memref<632x64xf32, #tpu.memory_space<hbm>>
      %dma_start3A_146 = arith.constant 0 : i32
      %dma_start3A_147 = tpu.memref_slice %arg13[%mul3A_2, %dma_start3A_146] : memref<10112x64xf32, #tpu.memory_space<vmem_shared>> -> memref<632x64xf32, #tpu.memory_space<vmem_shared>>
      tpu.enqueue_dma source(%dma_start3A_147 : memref<632x64xf32, #tpu.memory_space<vmem_shared>>) target(%dma_start3A_145 : memref<632x64xf32, #tpu.memory_space<hbm>>) target_semaphore(%run_scoped3A_139 : memref<!tpu.dma_semaphore, #tpu.memory_space<semaphore_mem>>)
      %dma_wait3A_148 = arith.constant 0 : i32
      %dma_wait3A_149 = arith.constant 0 : i32
      %dma_wait3A_150 = tpu.memref_slice %arg5[%arg0, %dma_wait3A_148, %dma_wait3A_149] : memref<2x10112x64xf32, #tpu.memory_space<hbm>> -> memref<1x10112x64xf32, #tpu.memory_space<hbm>>
      %dma_wait3A_151 = tpu.memref_squeeze %dma_wait3A_150 : memref<1x10112x64xf32, #tpu.memory_space<hbm>> -> memref<10112x64xf32, #tpu.memory_space<hbm>>
      %dma_wait3A_152 = arith.constant 0 : i32
      %dma_wait3A_153 = tpu.memref_slice %dma_wait3A_151[%mul3A_2, %dma_wait3A_152] : memref<10112x64xf32, #tpu.memory_space<hbm>> -> memref<632x64xf32, #tpu.memory_space<hbm>>
      %dma_wait3A_154 = arith.constant 0 : i32
      %dma_wait3A_155 = tpu.memref_slice %arg13[%mul3A_2, %dma_wait3A_154] : memref<10112x64xf32, #tpu.memory_space<vmem_shared>> -> memref<632x64xf32, #tpu.memory_space<vmem_shared>>
      tpu.wait_dma2 semaphore(%run_scoped3A_139 : memref<!tpu.dma_semaphore, #tpu.memory_space<semaphore_mem>>) src(%dma_wait3A_155 : memref<632x64xf32, #tpu.memory_space<vmem_shared>>) dst(%dma_wait3A_153 : memref<632x64xf32, #tpu.memory_space<hbm>>)
      tpu.yield
    }) : () -> ()
    return
  }
}

module attributes {stable_mosaic.version = 14 : i64} {
  func.func @tc_body(%arg0: i32, %arg1: memref<2000x128xf32, #tpu.memory_space<vmem>>, %arg2: memref<128x64xf32, #tpu.memory_space<vmem>>, %arg3: memref<128x64xf32, #tpu.memory_space<vmem>>, %arg4: memref<1x64xf32, #tpu.memory_space<vmem>>, %arg5: memref<2000x64xf32, #tpu.memory_space<vmem>>, %arg6: memref<2000x64xf32, #tpu.memory_space<vmem>>) attributes {dimension_semantics = [#tpu.dimension_semantics<arbitrary>], iteration_bounds = array<i64: 5>, scalar_prefetch = 0 : i64, scratch_operands = 0 : i64, tpu.core_type = #tpu.core_type<tc>, window_params = [{transform_indices = @transform_0, window_bounds = array<i64: 2000, 128>}, {pipeline_mode = #tpu.pipeline_mode<synchronous>, transform_indices = @transform_1, window_bounds = array<i64: 128, 64>}, {pipeline_mode = #tpu.pipeline_mode<synchronous>, transform_indices = @transform_2, window_bounds = array<i64: 128, 64>}, {pipeline_mode = #tpu.pipeline_mode<synchronous>, transform_indices = @transform_3, window_bounds = array<i64: 1, 64>}, {transform_indices = @transform_4, window_bounds = array<i64: 2000, 64>}, {transform_indices = @transform_5, window_bounds = array<i64: 2000, 64>}]} {
    %get3A = arith.constant 0 : index
    %get3A_0 = arith.constant 0 : index
    %get3A_1 = vector.load %arg1[%get3A, %get3A_0] : memref<2000x128xf32, #tpu.memory_space<vmem>>, vector<2000x128xf32>
    %get3A_2 = arith.constant 0 : index
    %get3A_3 = arith.constant 0 : index
    %get3A_4 = vector.load %arg2[%get3A_2, %get3A_3] : memref<128x64xf32, #tpu.memory_space<vmem>>, vector<128x64xf32>
    %dot_general3A = arith.constant dense<0.000000e+00> : vector<2000x64xf32>
    %dot_general3A_5 = tpu.matmul %get3A_1, %get3A_4, %dot_general3A {dimension_numbers = #tpu.dot_dimension_numbers<[1], [0], [0], [1], [0, 0, 1, 1], [], []>, precision = #tpu.contract_precision<fp32>, transpose_lhs_hint = false} : vector<2000x128xf32>, vector<128x64xf32>, vector<2000x64xf32> -> vector<2000x64xf32>
    %swap3A = arith.constant 0 : index
    %swap3A_6 = arith.constant 0 : index
    %swap3A_7 = vector.load %arg5[%swap3A, %swap3A_6] : memref<2000x64xf32, #tpu.memory_space<vmem>>, vector<2000x64xf32>
    tpu.vector_store %arg5[%swap3A, %swap3A_6], %dot_general3A_5 {strides = array<i32>} : memref<2000x64xf32, #tpu.memory_space<vmem>>, vector<2000x64xf32>,
    %get3A_8 = arith.constant 0 : index
    %get3A_9 = arith.constant 0 : index
    %get3A_10 = vector.load %arg3[%get3A_8, %get3A_9] : memref<128x64xf32, #tpu.memory_space<vmem>>, vector<128x64xf32>
    %dot_general3A_11 = arith.constant dense<0.000000e+00> : vector<2000x64xf32>
    %dot_general3A_12 = tpu.matmul %get3A_1, %get3A_10, %dot_general3A_11 {dimension_numbers = #tpu.dot_dimension_numbers<[1], [0], [0], [1], [0, 0, 1, 1], [], []>, precision = #tpu.contract_precision<fp32>, transpose_lhs_hint = false} : vector<2000x128xf32>, vector<128x64xf32>, vector<2000x64xf32> -> vector<2000x64xf32>
    %get3A_13 = arith.constant 0 : index
    %get3A_14 = arith.constant 0 : index
    %get3A_15 = vector.load %arg4[%get3A_13, %get3A_14] : memref<1x64xf32, #tpu.memory_space<vmem>>, vector<1x64xf32>
    %add3A = vector.broadcast %get3A_15 : vector<1x64xf32> to vector<2000x64xf32>
    %add3A_16 = arith.addf %dot_general3A_12, %add3A : vector<2000x64xf32>
    %swap3A_17 = arith.constant 0 : index
    %swap3A_18 = arith.constant 0 : index
    %swap3A_19 = vector.load %arg6[%swap3A_17, %swap3A_18] : memref<2000x64xf32, #tpu.memory_space<vmem>>, vector<2000x64xf32>
    tpu.vector_store %arg6[%swap3A_17, %swap3A_18], %add3A_16 {strides = array<i32>} : memref<2000x64xf32, #tpu.memory_space<vmem>>, vector<2000x64xf32>,
    return
  }
  func.func @transform_0(%arg0: i32) -> (i32, i32) {
    %c0_i32 = arith.constant 0 : i32
    %c0_i32_0 = arith.constant 0 : i32
    return %arg0, %c0_i32 : i32, i32
  }
  func.func @transform_1(%arg0: i32) -> (i32, i32) {
    %c0_i32 = arith.constant 0 : i32
    %c0_i32_0 = arith.constant 0 : i32
    %c0_i32_1 = arith.constant 0 : i32
    return %c0_i32, %c0_i32_0 : i32, i32
  }
  func.func @transform_2(%arg0: i32) -> (i32, i32) {
    %c0_i32 = arith.constant 0 : i32
    %c0_i32_0 = arith.constant 0 : i32
    %c0_i32_1 = arith.constant 0 : i32
    return %c0_i32, %c0_i32_0 : i32, i32
  }
  func.func @transform_3(%arg0: i32) -> (i32, i32) {
    %c0_i32 = arith.constant 0 : i32
    %c0_i32_0 = arith.constant 0 : i32
    %c0_i32_1 = arith.constant 0 : i32
    return %c0_i32, %c0_i32_0 : i32, i32
  }
  func.func @transform_4(%arg0: i32) -> (i32, i32) {
    %c0_i32 = arith.constant 0 : i32
    %c0_i32_0 = arith.constant 0 : i32
    return %arg0, %c0_i32 : i32, i32
  }
  func.func @transform_5(%arg0: i32) -> (i32, i32) {
    %c0_i32 = arith.constant 0 : i32
    %c0_i32_0 = arith.constant 0 : i32
    return %arg0, %c0_i32 : i32, i32
  }
}

module attributes {stable_mosaic.version = 14 : i64} {
  func.func @tc_body(%arg0: i32, %arg1: memref<2x2000x64xf32, #tpu.memory_space<vmem>>, %arg2: memref<2x2000x16xf32, #tpu.memory_space<vmem>>, %arg3: memref<2000x64xf32, #tpu.memory_space<vmem>>, %arg4: memref<64x64xf32, #tpu.memory_space<vmem>>, %arg5: memref<64x64xf32, #tpu.memory_space<vmem>>, %arg6: memref<1x64xf32, #tpu.memory_space<vmem>>, %arg7: memref<2000x64xf32, #tpu.memory_space<vmem>>, %arg8: memref<2000x64xf32, #tpu.memory_space<vmem>>) attributes {dimension_semantics = [#tpu.dimension_semantics<arbitrary>], iteration_bounds = array<i64: 5>, scalar_prefetch = 0 : i64, scratch_operands = 0 : i64, tpu.core_type = #tpu.core_type<tc>, window_params = [{transform_indices = @transform_0, window_bounds = array<i64: 2, 2000, 64>}, {transform_indices = @transform_1, window_bounds = array<i64: 2, 2000, 16>}, {transform_indices = @transform_2, window_bounds = array<i64: 2000, 64>}, {pipeline_mode = #tpu.pipeline_mode<synchronous>, transform_indices = @transform_3, window_bounds = array<i64: 64, 64>}, {pipeline_mode = #tpu.pipeline_mode<synchronous>, transform_indices = @transform_4, window_bounds = array<i64: 64, 64>}, {pipeline_mode = #tpu.pipeline_mode<synchronous>, transform_indices = @transform_5, window_bounds = array<i64: 1, 64>}, {transform_indices = @transform_6, window_bounds = array<i64: 2000, 64>}, {transform_indices = @transform_7, window_bounds = array<i64: 2000, 64>}]} {
    %get3A = arith.constant 0 : index
    %get3A_0 = arith.constant 0 : index
    %get3A_1 = arith.constant 0 : index
    %get3A_2 = vector.load %arg1[%get3A, %get3A_0, %get3A_1] : memref<2x2000x64xf32, #tpu.memory_space<vmem>>, vector<1x2000x64xf32>
    %get3A_3 = vector.shape_cast %get3A_2 : vector<1x2000x64xf32> to vector<2000x64xf32>
    %get3A_4 = arith.constant 1 : index
    %get3A_5 = arith.constant 0 : index
    %get3A_6 = arith.constant 0 : index
    %get3A_7 = vector.load %arg1[%get3A_4, %get3A_5, %get3A_6] : memref<2x2000x64xf32, #tpu.memory_space<vmem>>, vector<1x2000x64xf32>
    %get3A_8 = vector.shape_cast %get3A_7 : vector<1x2000x64xf32> to vector<2000x64xf32>
    %add3A = arith.addf %get3A_3, %get3A_8 : vector<2000x64xf32>
    %get3A_9 = arith.constant 0 : index
    %get3A_10 = arith.constant 0 : index
    %get3A_11 = arith.constant 0 : index
    %get3A_12 = vector.load %arg2[%get3A_9, %get3A_10, %get3A_11] : memref<2x2000x16xf32, #tpu.memory_space<vmem>>, vector<1x2000x1xf32>
    %get3A_13 = vector.shape_cast %get3A_12 : vector<1x2000x1xf32> to vector<2000x1xf32>
    %get3A_14 = arith.constant 1 : index
    %get3A_15 = arith.constant 0 : index
    %get3A_16 = arith.constant 0 : index
    %get3A_17 = vector.load %arg2[%get3A_14, %get3A_15, %get3A_16] : memref<2x2000x16xf32, #tpu.memory_space<vmem>>, vector<1x2000x1xf32>
    %get3A_18 = vector.shape_cast %get3A_17 : vector<1x2000x1xf32> to vector<2000x1xf32>
    %add3A_19 = arith.addf %get3A_13, %get3A_18 : vector<2000x1xf32>
    %max3A = arith.constant 1.000000e+00 : f32
    %max3A_20 = vector.broadcast %max3A : f32 to vector<2000x1xf32>
    %max3A_21 = arith.maximumf %add3A_19, %max3A_20 : vector<2000x1xf32>
    %div3A = arith.constant 1.000000e+00 : f32
    %div3A_22 = vector.broadcast %div3A : f32 to vector<2000x1xf32>
    %div3A_23 = arith.divf %div3A_22, %max3A_21 : vector<2000x1xf32>
    %mul3A = vector.broadcast %div3A_23 : vector<2000x1xf32> to vector<2000x64xf32>
    %mul3A_24 = arith.mulf %add3A, %mul3A : vector<2000x64xf32>
    %get3A_25 = arith.constant 0 : index
    %get3A_26 = arith.constant 0 : index
    %get3A_27 = vector.load %arg3[%get3A_25, %get3A_26] : memref<2000x64xf32, #tpu.memory_space<vmem>>, vector<2000x64xf32>
    %add3A_28 = arith.addf %mul3A_24, %get3A_27 : vector<2000x64xf32>
    %max3A_29 = arith.constant 0.000000e+00 : f32
    %max3A_30 = vector.broadcast %max3A_29 : f32 to vector<2000x64xf32>
    %max3A_31 = arith.maximumf %add3A_28, %max3A_30 : vector<2000x64xf32>
    %get3A_32 = arith.constant 0 : index
    %get3A_33 = arith.constant 0 : index
    %get3A_34 = vector.load %arg4[%get3A_32, %get3A_33] : memref<64x64xf32, #tpu.memory_space<vmem>>, vector<64x64xf32>
    %dot_general3A = arith.constant dense<0.000000e+00> : vector<2000x64xf32>
    %dot_general3A_35 = tpu.matmul %max3A_31, %get3A_34, %dot_general3A {dimension_numbers = #tpu.dot_dimension_numbers<[1], [0], [0], [1], [0, 0, 1, 1], [], []>, precision = #tpu.contract_precision<fp32>, transpose_lhs_hint = false} : vector<2000x64xf32>, vector<64x64xf32>, vector<2000x64xf32> -> vector<2000x64xf32>
    %swap3A = arith.constant 0 : index
    %swap3A_36 = arith.constant 0 : index
    %swap3A_37 = vector.load %arg7[%swap3A, %swap3A_36] : memref<2000x64xf32, #tpu.memory_space<vmem>>, vector<2000x64xf32>
    tpu.vector_store %arg7[%swap3A, %swap3A_36], %dot_general3A_35 {strides = array<i32>} : memref<2000x64xf32, #tpu.memory_space<vmem>>, vector<2000x64xf32>,
    %get3A_38 = arith.constant 0 : index
    %get3A_39 = arith.constant 0 : index
    %get3A_40 = vector.load %arg5[%get3A_38, %get3A_39] : memref<64x64xf32, #tpu.memory_space<vmem>>, vector<64x64xf32>
    %dot_general3A_41 = arith.constant dense<0.000000e+00> : vector<2000x64xf32>
    %dot_general3A_42 = tpu.matmul %max3A_31, %get3A_40, %dot_general3A_41 {dimension_numbers = #tpu.dot_dimension_numbers<[1], [0], [0], [1], [0, 0, 1, 1], [], []>, precision = #tpu.contract_precision<fp32>, transpose_lhs_hint = false} : vector<2000x64xf32>, vector<64x64xf32>, vector<2000x64xf32> -> vector<2000x64xf32>
    %get3A_43 = arith.constant 0 : index
    %get3A_44 = arith.constant 0 : index
    %get3A_45 = vector.load %arg6[%get3A_43, %get3A_44] : memref<1x64xf32, #tpu.memory_space<vmem>>, vector<1x64xf32>
    %add3A_46 = vector.broadcast %get3A_45 : vector<1x64xf32> to vector<2000x64xf32>
    %add3A_47 = arith.addf %dot_general3A_42, %add3A_46 : vector<2000x64xf32>
    %swap3A_48 = arith.constant 0 : index
    %swap3A_49 = arith.constant 0 : index
    %swap3A_50 = vector.load %arg8[%swap3A_48, %swap3A_49] : memref<2000x64xf32, #tpu.memory_space<vmem>>, vector<2000x64xf32>
    tpu.vector_store %arg8[%swap3A_48, %swap3A_49], %add3A_47 {strides = array<i32>} : memref<2000x64xf32, #tpu.memory_space<vmem>>, vector<2000x64xf32>,
    return
  }
  func.func @transform_0(%arg0: i32) -> (i32, i32, i32) {
    %c0_i32 = arith.constant 0 : i32
    %c0_i32_0 = arith.constant 0 : i32
    %c0_i32_1 = arith.constant 0 : i32
    return %c0_i32, %arg0, %c0_i32_0 : i32, i32, i32
  }
  func.func @transform_1(%arg0: i32) -> (i32, i32, i32) {
    %c0_i32 = arith.constant 0 : i32
    %c0_i32_0 = arith.constant 0 : i32
    %c0_i32_1 = arith.constant 0 : i32
    return %c0_i32, %arg0, %c0_i32_0 : i32, i32, i32
  }
  func.func @transform_2(%arg0: i32) -> (i32, i32) {
    %c0_i32 = arith.constant 0 : i32
    %c0_i32_0 = arith.constant 0 : i32
    return %arg0, %c0_i32 : i32, i32
  }
  func.func @transform_3(%arg0: i32) -> (i32, i32) {
    %c0_i32 = arith.constant 0 : i32
    %c0_i32_0 = arith.constant 0 : i32
    %c0_i32_1 = arith.constant 0 : i32
    return %c0_i32, %c0_i32_0 : i32, i32
  }
  func.func @transform_4(%arg0: i32) -> (i32, i32) {
    %c0_i32 = arith.constant 0 : i32
    %c0_i32_0 = arith.constant 0 : i32
    %c0_i32_1 = arith.constant 0 : i32
    return %c0_i32, %c0_i32_0 : i32, i32
  }
  func.func @transform_5(%arg0: i32) -> (i32, i32) {
    %c0_i32 = arith.constant 0 : i32
    %c0_i32_0 = arith.constant 0 : i32
    %c0_i32_1 = arith.constant 0 : i32
    return %c0_i32, %c0_i32_0 : i32, i32
  }
  func.func @transform_6(%arg0: i32) -> (i32, i32) {
    %c0_i32 = arith.constant 0 : i32
    %c0_i32_0 = arith.constant 0 : i32
    return %arg0, %c0_i32 : i32, i32
  }
  func.func @transform_7(%arg0: i32) -> (i32, i32) {
    %c0_i32 = arith.constant 0 : i32
    %c0_i32_0 = arith.constant 0 : i32
    return %arg0, %c0_i32 : i32, i32
  }
}

module attributes {stable_mosaic.version = 14 : i64} {
  func.func @tc_body(%arg0: i32, %arg1: memref<2x2000x64xf32, #tpu.memory_space<vmem>>, %arg2: memref<2x2000x16xf32, #tpu.memory_space<vmem>>, %arg3: memref<2000x64xf32, #tpu.memory_space<vmem>>, %arg4: memref<64x8xf32, #tpu.memory_space<vmem>>, %arg5: memref<1x8xf32, #tpu.memory_space<vmem>>, %arg6: memref<2000x8xf32, #tpu.memory_space<vmem>>) attributes {dimension_semantics = [#tpu.dimension_semantics<arbitrary>], iteration_bounds = array<i64: 5>, scalar_prefetch = 0 : i64, scratch_operands = 0 : i64, tpu.core_type = #tpu.core_type<tc>, window_params = [{transform_indices = @transform_0, window_bounds = array<i64: 2, 2000, 64>}, {transform_indices = @transform_1, window_bounds = array<i64: 2, 2000, 16>}, {transform_indices = @transform_2, window_bounds = array<i64: 2000, 64>}, {pipeline_mode = #tpu.pipeline_mode<synchronous>, transform_indices = @transform_3, window_bounds = array<i64: 64, 8>}, {pipeline_mode = #tpu.pipeline_mode<synchronous>, transform_indices = @transform_4, window_bounds = array<i64: 1, 8>}, {transform_indices = @transform_5, window_bounds = array<i64: 2000, 8>}]} {
    %get3A = arith.constant 0 : index
    %get3A_0 = arith.constant 0 : index
    %get3A_1 = arith.constant 0 : index
    %get3A_2 = vector.load %arg1[%get3A, %get3A_0, %get3A_1] : memref<2x2000x64xf32, #tpu.memory_space<vmem>>, vector<1x2000x64xf32>
    %get3A_3 = vector.shape_cast %get3A_2 : vector<1x2000x64xf32> to vector<2000x64xf32>
    %get3A_4 = arith.constant 1 : index
    %get3A_5 = arith.constant 0 : index
    %get3A_6 = arith.constant 0 : index
    %get3A_7 = vector.load %arg1[%get3A_4, %get3A_5, %get3A_6] : memref<2x2000x64xf32, #tpu.memory_space<vmem>>, vector<1x2000x64xf32>
    %get3A_8 = vector.shape_cast %get3A_7 : vector<1x2000x64xf32> to vector<2000x64xf32>
    %add3A = arith.addf %get3A_3, %get3A_8 : vector<2000x64xf32>
    %get3A_9 = arith.constant 0 : index
    %get3A_10 = arith.constant 0 : index
    %get3A_11 = arith.constant 0 : index
    %get3A_12 = vector.load %arg2[%get3A_9, %get3A_10, %get3A_11] : memref<2x2000x16xf32, #tpu.memory_space<vmem>>, vector<1x2000x1xf32>
    %get3A_13 = vector.shape_cast %get3A_12 : vector<1x2000x1xf32> to vector<2000x1xf32>
    %get3A_14 = arith.constant 1 : index
    %get3A_15 = arith.constant 0 : index
    %get3A_16 = arith.constant 0 : index
    %get3A_17 = vector.load %arg2[%get3A_14, %get3A_15, %get3A_16] : memref<2x2000x16xf32, #tpu.memory_space<vmem>>, vector<1x2000x1xf32>
    %get3A_18 = vector.shape_cast %get3A_17 : vector<1x2000x1xf32> to vector<2000x1xf32>
    %add3A_19 = arith.addf %get3A_13, %get3A_18 : vector<2000x1xf32>
    %max3A = arith.constant 1.000000e+00 : f32
    %max3A_20 = vector.broadcast %max3A : f32 to vector<2000x1xf32>
    %max3A_21 = arith.maximumf %add3A_19, %max3A_20 : vector<2000x1xf32>
    %div3A = arith.constant 1.000000e+00 : f32
    %div3A_22 = vector.broadcast %div3A : f32 to vector<2000x1xf32>
    %div3A_23 = arith.divf %div3A_22, %max3A_21 : vector<2000x1xf32>
    %mul3A = vector.broadcast %div3A_23 : vector<2000x1xf32> to vector<2000x64xf32>
    %mul3A_24 = arith.mulf %add3A, %mul3A : vector<2000x64xf32>
    %get3A_25 = arith.constant 0 : index
    %get3A_26 = arith.constant 0 : index
    %get3A_27 = vector.load %arg3[%get3A_25, %get3A_26] : memref<2000x64xf32, #tpu.memory_space<vmem>>, vector<2000x64xf32>
    %add3A_28 = arith.addf %mul3A_24, %get3A_27 : vector<2000x64xf32>
    %max3A_29 = arith.constant 0.000000e+00 : f32
    %max3A_30 = vector.broadcast %max3A_29 : f32 to vector<2000x64xf32>
    %max3A_31 = arith.maximumf %add3A_28, %max3A_30 : vector<2000x64xf32>
    %get3A_32 = arith.constant 0 : index
    %get3A_33 = arith.constant 0 : index
    %get3A_34 = vector.load %arg4[%get3A_32, %get3A_33] : memref<64x8xf32, #tpu.memory_space<vmem>>, vector<64x8xf32>
    %dot_general3A = arith.constant dense<0.000000e+00> : vector<2000x8xf32>
    %dot_general3A_35 = tpu.matmul %max3A_31, %get3A_34, %dot_general3A {dimension_numbers = #tpu.dot_dimension_numbers<[1], [0], [0], [1], [0, 0, 1, 1], [], []>, precision = #tpu.contract_precision<fp32>, transpose_lhs_hint = false} : vector<2000x64xf32>, vector<64x8xf32>, vector<2000x8xf32> -> vector<2000x8xf32>
    %get3A_36 = arith.constant 0 : index
    %get3A_37 = arith.constant 0 : index
    %get3A_38 = vector.load %arg5[%get3A_36, %get3A_37] : memref<1x8xf32, #tpu.memory_space<vmem>>, vector<1x8xf32>
    %add3A_39 = vector.broadcast %get3A_38 : vector<1x8xf32> to vector<2000x8xf32>
    %add3A_40 = arith.addf %dot_general3A_35, %add3A_39 : vector<2000x8xf32>
    %swap3A = arith.constant 0 : index
    %swap3A_41 = arith.constant 0 : index
    %swap3A_42 = vector.load %arg6[%swap3A, %swap3A_41] : memref<2000x8xf32, #tpu.memory_space<vmem>>, vector<2000x8xf32>
    tpu.vector_store %arg6[%swap3A, %swap3A_41], %add3A_40 {strides = array<i32>} : memref<2000x8xf32, #tpu.memory_space<vmem>>, vector<2000x8xf32>,
    return
  }
  func.func @transform_0(%arg0: i32) -> (i32, i32, i32) {
    %c0_i32 = arith.constant 0 : i32
    %c0_i32_0 = arith.constant 0 : i32
    %c0_i32_1 = arith.constant 0 : i32
    return %c0_i32, %arg0, %c0_i32_0 : i32, i32, i32
  }
  func.func @transform_1(%arg0: i32) -> (i32, i32, i32) {
    %c0_i32 = arith.constant 0 : i32
    %c0_i32_0 = arith.constant 0 : i32
    %c0_i32_1 = arith.constant 0 : i32
    return %c0_i32, %arg0, %c0_i32_0 : i32, i32, i32
  }
  func.func @transform_2(%arg0: i32) -> (i32, i32) {
    %c0_i32 = arith.constant 0 : i32
    %c0_i32_0 = arith.constant 0 : i32
    return %arg0, %c0_i32 : i32, i32
  }
  func.func @transform_3(%arg0: i32) -> (i32, i32) {
    %c0_i32 = arith.constant 0 : i32
    %c0_i32_0 = arith.constant 0 : i32
    %c0_i32_1 = arith.constant 0 : i32
    return %c0_i32, %c0_i32_0 : i32, i32
  }
  func.func @transform_4(%arg0: i32) -> (i32, i32) {
    %c0_i32 = arith.constant 0 : i32
    %c0_i32_0 = arith.constant 0 : i32
    %c0_i32_1 = arith.constant 0 : i32
    return %c0_i32, %c0_i32_0 : i32, i32
  }
  func.func @transform_5(%arg0: i32) -> (i32, i32) {
    %c0_i32 = arith.constant 0 : i32
    %c0_i32_0 = arith.constant 0 : i32
    return %arg0, %c0_i32 : i32, i32
  }
}

</mosaic_0001>

<sc_bundles>
// kernel: kernel.10.cloned.1.call-start
scs
__scs_entry_jumppad:
0x0: {  	(pc) =	sbr.rel $0x88, $3  }
0x1: {  	(tag) =	ssettag $0x0;
	lr =	simm.s32 $0x1  }
0x2: {  	[smem:$0x3F95] =	sst lr;
	_ =	strace $0xD0000000  }
0x3: {  	_ = 	snop  }
0x4: {  	_ = 	snop  }
0x5: {  	_ = 	snop  }
0x6: {  	_ = 	snop  }
0x7: {  	_ = 	snop  }
__scs_overlays_trampoline_lowered:
0x8: {  	[smem:$0x3FA4] =	sst s0  }
0x9: {  	[smem:$0x3FA5] =	sst s1  }
0xa: {  	[smem:$0x3FA6] =	sst s2  }
0xb: {  	[smem:$0x3FA7] =	sst s3  }
0xc: {  	[smem:$0x3FA8] =	sst s4  }
0xd: {  	[smem:$0x3FA9] =	sst s5  }
0xe: {  	[smem:$0x3FAA] =	sst s6  }
0xf: {  	[smem:$0x3FAB] =	sst s7  }
0x10: {  	[smem:$0x3FAC] =	sst s8  }
0x11: {  	[smem:$0x3FAD] =	sst s9;
	s0 =	simm.s32 @!p0 $0x0  }
0x12: {  	s1 =	sld [smem:$0x3F93];
	s0 =	simm.s32 @p0 $0x1  }
0x13: {  	[smem:$0x3FAE] =	sst s0;
	s0 =	simm.s32 @!p1 $0x0  }
0x14: {  	s2 =	sld [smem:$0x3F92];
	s0 =	simm.s32 @p1 $0x1  }
0x15: {  	[smem:$0x3FAF] =	sst s0;
	s0 =	simm.s32 @!p2 $0x0  }
0x16: {  	s3 =	sld [smem:$0x3FDB];
	s0 =	simm.s32 @p2 $0x1  }
0x17: {  	s4 =	simm.s32 $0x1BF5;
	[smem:$0x3FB1] =	sst s0  }
0x18: {  	s0 =	sld [smem:$0x3F94];
	_ =	swait.ge [sflag:s4], $0x0  }
0x19: {  	s7 =	sld [smem:$0x3F95]  }
0x1a: {  	s8 =	sadd.s32 $0xFFFFE003, lr  }
0x1b: {  	s9 =	sadd.s32 $0xFFFFFEF7, lr;
	s5 =	simm.s32 $0xFFFFFFFF;
	p2 =	slt.u32 s8, $0xFFFFF086  }
0x1c: {  	p1 =	slt.u32 s9, $0xF7A;
	s5 =	simm.s32 @!p2 $0x0  }
0x1d: {  	s5 =	simm.s32 @p1 $0x1;
	p0 =	seq.s32 s7, s2  }
0x1e: {  	s7 =	smul.u32 @!p0 $0xF7A, s2;
	p2 =	seq.s32 @!p0 s5, $0x0  }
0x1f: {  	s9 =	smul.u32 $0xF7A, s1;
	s8 =	simm.s32 @!p0 $0x1BF5;
	p2 =	por !p2, p0  }
0x20: {  	[sflag:s8] =	ssyncset.s32 @!p0 $0xFFFFF086;
	s6 =	sadd.s32 @!p0 s3, s7;
	s7 =	simm.s32 @!p0 $0x108  }
0x21: {  	s3 =	sadd.s32 s3, s9;
	s6 =	sadd.s32 @!p0 $0x88, s6;
	s7 =	simm.s32 @p2 $0x1082  }
0x22: {  	[simem:s7], [sflag:s8] =	dma.local @!p0 [hbm:s6], $0xF7A  }
0x23: {  	s9 =	sor.u32 $0xD0000000, s2;
	s6 =	simm.s32 $0x108;
	_ =	swait.ge @!p0 [sflag:s8], $0x0  }
0x24: {  	s3 =	sadd.s32 $0x88, s3;
	s6 =	simm.s32 @!p1 $0x1082;
	[sflag:s4] =	ssyncset.s32 $0xFFFFF086  }
0x25: {  	[simem:s6], [sflag:s4] =	dma.local [hbm:s3], $0xF7A  }
0x26: {  	[smem:$0x3F95] =	sst s1;
	(tag) =	ssettag s2;
	_ =	strace s9  }
0x27: {  	s1 =	sld [smem:$0x3FA5]  }
0x28: {  	s2 =	sld [smem:$0x3FA6]  }
0x29: {  	s4 =	sld [smem:$0x3FA8]  }
0x2a: {  	p0 =	seq.s32 s5, $0x0;
	s5 =	sld [smem:$0x3FA9]  }
0x2b: {  	s6 =	sld [smem:$0x3FAA]  }
0x2c: {  	s7 =	sld [smem:$0x3FAB]  }
0x2d: {  	s3 =	simm.s32 $0x108;
	s8 =	sld [smem:$0x3FAC]  }
0x2e: {  	s3 =	simm.s32 @!p0 $0x1082;
	s9 =	sld [smem:$0x3FAD]  }
0x2f: {  	lr =	sadd.s32 s0, s3;
	s0 =	sld [smem:$0x3FA4]  }
0x30: {  	s3 =	sld [smem:$0x3FA7]  }
0x31: {  	[smem:$0x3FB0] =	sst s10  }
0x32: {  	s10 =	sld [smem:$0x3FAE];
	_ =	sdelay $0x3  }
0x33: {  	p0 =	seq.s32 s10, $0x1;
	s10 =	sld [smem:$0x3FB0];
	_ =	sdelay $0x3  }
0x34: {  	[smem:$0x3FB0] =	sst s10  }
0x35: {  	s10 =	sld [smem:$0x3FAF];
	_ =	sdelay $0x3  }
0x36: {  	p1 =	seq.s32 s10, $0x1;
	s10 =	sld [smem:$0x3FB0];
	_ =	sdelay $0x3  }
0x37: {  	[smem:$0x3FB0] =	sst s10  }
0x38: {  	s10 =	sld [smem:$0x3FB1]  }
0x39: {  	_ = 	snop;
	(pc) =	sbr.ind lr, $3  }
0x3a: {  	_ = 	snop  }
0x3b: {  	_ = 	snop  }
0x3c: {  	p2 =	seq.s32 s10, $0x1;
	s10 =	sld [smem:$0x3FB0]  }
0x3d: {  	_ =	shalt  }
0x3e: {  	_ =	shalt  }
0x3f: {  	_ =	shalt  }
0x40: {  	_ =	shalt  }
0x41: {  	_ =	shalt  }
0x42: {  	_ =	shalt  }
0x43: {  	_ =	shalt  }
0x44: {  	_ =	shalt  }
0x45: {  	_ =	shalt  }
0x46: {  	_ =	shalt  }
0x47: {  	_ =	shalt  }
0x48: {  	_ =	shalt  }
0x49: {  	_ =	shalt  }
0x4a: {  	_ =	shalt  }
0x4b: {  	_ =	shalt  }
0x4c: {  	_ =	shalt  }
0x4d: {  	_ =	shalt  }
0x4e: {  	_ =	shalt  }
0x4f: {  	_ =	shalt  }
0x50: {  	_ =	shalt  }
0x51: {  	_ =	shalt  }
0x52: {  	_ =	shalt  }
0x53: {  	_ =	shalt  }
0x54: {  	_ =	shalt  }
0x55: {  	_ =	shalt  }
0x56: {  	_ =	shalt  }
0x57: {  	_ =	shalt  }
0x58: {  	_ =	shalt  }
0x59: {  	_ =	shalt  }
0x5a: {  	_ =	shalt  }
0x5b: {  	_ =	shalt  }
0x5c: {  	_ =	shalt  }
0x5d: {  	_ =	shalt  }
0x5e: {  	_ =	shalt  }
0x5f: {  	_ =	shalt  }
0x60: {  	_ =	shalt  }
0x61: {  	_ =	shalt  }
0x62: {  	_ =	shalt  }
0x63: {  	_ =	shalt  }
0x64: {  	_ =	shalt  }
0x65: {  	_ =	shalt  }
0x66: {  	_ =	shalt  }
0x67: {  	_ =	shalt  }
0x68: {  	_ =	shalt  }
0x69: {  	_ =	shalt  }
0x6a: {  	_ =	shalt  }
0x6b: {  	_ =	shalt  }
0x6c: {  	_ =	shalt  }
0x6d: {  	_ =	shalt  }
0x6e: {  	_ =	shalt  }
0x6f: {  	_ =	shalt  }
0x70: {  	_ =	shalt  }
0x71: {  	_ =	shalt  }
0x72: {  	_ =	shalt  }
0x73: {  	_ =	shalt  }
0x74: {  	_ =	shalt  }
0x75: {  	_ =	shalt  }
0x76: {  	_ =	shalt  }
0x77: {  	_ =	shalt  }
0x78: {  	_ =	shalt  }
0x79: {  	_ =	shalt  }
0x7a: {  	_ =	shalt  }
0x7b: {  	_ =	shalt  }
0x7c: {  	_ =	shalt  }
0x7d: {  	_ =	shalt  }
0x7e: {  	_ =	shalt  }
0x7f: {  	_ =	shalt  }
0x80: {  	_ =	shalt  }
0x81: {  	_ =	shalt  }
0x82: {  	_ =	shalt  }
0x83: {  	_ =	shalt  }
0x84: {  	_ =	shalt  }
0x85: {  	_ =	shalt  }
0x86: {  	_ =	shalt  }
0x87: {  	_ =	shalt  }
.Lfunc_end0:
.L_simem_size_0:
called_computation.1_lowered:
.L_overlay_start_0:
0x88: {  	s2 =	sld [smem:$0x3FD9]  }
0x89: {  	s3 =	sld [smem:$0x3FFE];
	_ =	sdelay $0x1  }
0x8a: {  	s1 =	srdreg.scid  }
0x8b: {  	s0 =	sand.u32 $0x1, s1  }
0x8c: {  	s16 =	sshll.u32 s0, $0xA;
	s2 =	sadd.s32 s3, s2  }
0x8d: {  	s2 =	sadd.s32 s2, s16  }
0x8e: {  	[smem:$0x3FBC] =	sst s2  }
0x8f: {  	_ = 	snop  }
0x90: {  	(tm) =	ssettm $0x1  }
0x91: {  	s17 =	sld [smem:$0x3FFB];
	_ =	sdelay $0x3  }
0x92: {  	_ =	strace s17  }
0x93: {  	s2 =	sld [smem:$0x3FFC];
	_ =	sdelay $0x3  }
0x94: {  	_ =	strace s2  }
0x95: {  	s2 =	sld [smem:$0x3FFD];
	_ =	sdelay $0x3  }
0x96: {  	_ =	strace s2  }
0x97: {  	_ =	strace $0x8FFFFFFF  }
0x98: {  	s18 =	sld [smem:$0x3FDB];
	_ =	sdelay $0x1  }
0x99: {  	s19 =	simm.s32 $_scs_section_size  }
0x9a: {  	s4 =	simm.s32 $_size__tile_overlayer_lowered;
	s5 =	simm.s32 $_tile_overlayer_lowered  }
0x9b: {  	s22 =	simm.s32 $0x1BFF;
	s21 =	sshll.u32 s5, $0x1;
	s2 =	sadd.s32 s19, s18  }
0x9c: {  	s6 =	simm.s32 $0x0;
	s20 =	sshll.u32 s4, $0x1;
	s4 =	sadd.s32 s21, s2  }
0x9d: {  	[timem:s6], [sflag:s22] =	dma.local [hbm:s4], s20  }
0x9e: {  	_ =	swait.ge [sflag:s22], s20  }
0x9f: {  	s3 =	ssub.s32 $0x0, s20;
	[sflag:s22] =	ssyncset.done $0x0  }
0xa0: {  	[sflag:s22] =	ssyncadd.s32 s3;
	_ =	sdelay $0x1  }
0xa1: {  	s23 =	simm.s32 $0x1B8B  }
0xa2: {  	_ =	swait.ge [sflag:s23], $0x1  }
0xa3: {  	[sflag:s23] =	ssyncset.done $0x0  }
0xa4: {  	s25 =	simm.s32 $0x1B8E;
	s24 =	sld [smem:$0x3FFE];
	[sflag:s23] =	ssyncadd.s32 $0xFFFFFFFF  }
0xa5: {  	s26 =	simm.s32 $execute0_lowered;
	[smem:$0x3FD2] =	sst s25  }
0xa6: {  	s4 =	sshll.u32 s26, $0x1;
	_ =	strace $0x80000049;
	[dreg:$0x1] =	wrdreg $0xFFFFFFFF  }
0xa7: {  	s28 =	simm.s32 $_size_execute0_lowered;
	s2 =	sadd.s32 s2, s4;
	[dreg:$0x0] =	wrdreg $0x0  }
0xa8: {  	s4 =	sshll.u32 s28, $0x1;
	[dreg:$0x2] =	wrdreg s2  }
0xa9: {  	[dreg:$0x3] =	wrdreg s4  }
0xaa: {  	[dreg:$0x4] =	wrdreg $0xC0  }
0xab: {  	_ =	task [dreg:s6], $0x5FFFF  }
0xac: {  	[dreg:$0x1] =	wrdreg $0xFFFFFFFF  }
0xad: {  	[dreg:$0x0] =	wrdreg $0x60  }
0xae: {  	[dreg:$0x2] =	wrdreg s24  }
0xaf: {  	[dreg:$0x3] =	wrdreg $0xD2200  }
0xb0: {  	[dreg:$0x4] =	wrdreg $0x9  }
0xb1: {  	_ =	task.clear_ibuf [dreg:s6], $0x5FFFF;
	_ =	strace $0x90000049  }
0xb2: {  	s29 =	simm.s32 $0x9;
	_ =	strace $0x8000004B  }
0xb3: {  	_ =	swait.ge [sflag:s29], $0x1  }
0xb4: {  	[sflag:s29] =	ssyncadd.s32 $0xFFFFFFFF  }
0xb5: {  	_ =	strace $0x9000004B  }
0xb6: {  	_ =	sfence  }
0xb7: {  	s30 =	sld [smem:$0x0];
	_ =	sdelay $0x2  }
0xb8: {  	s31 =	sshll.u32 s1, $0xD;
	s1 =	sshrl.u32 s1, $0x2  }
0xb9: {  	s3 =	sand.u32 $0x4000, s31;
	s1 =	sadd.s32 s1, s30  }
0xba: {  	s0 =	sor.u32 s3, s0;
	s1 =	sshll.u32 s1, $0x11  }
0xbb: {  	s0 =	sor.u32 s1, s0  }
0xbc: {  	s0 =	sadd.s32 $0x8F2B, s0  }
0xbd: {  	[sflag:s0] =	ssyncadd.remote.s32 $0x1  }
0xbe: {  	_ =	sfence.sel $0xFFFF  }
0xbf: {  	[dreg:$0x0] =	wrdreg $0xFFFFFFFF;
	(pc) =	sbr.abs _section_cstart, $3  }
0xc0: {  	[dreg:$0x1] =	wrdreg $0xFFFFFFFF  }
0xc1: {  	_ =	task.clear_ibuf [dreg:s6], $0x2FFFF;
	_ =	strace $0x9FFFFFFF  }
0xc2: {  	(tm) =	ssettm $0x7FFFFFFF  }
0xc3: {  	_ =	shalt  }
tec
execute0_lowered:
.L_overlay_start_1:
0x0: {  	(tag) =	ssettag $0x1  }
0x1: {  	s0 =	srdreg.scid;
	s1 =	rddreg [dreg:$0x0]  }
0x2: {  	s2 =	rddreg [dreg:$0x1];
	s12 =	stileid.u32  }
0x3: {  	s3 =	simm.s32 $0x0;
	s13 =	simm.s32 $0x80;
	s14 =	simm.s32 $0x4E20  }
0x4: {  	s15 =	simm.s32 $0x6E20;
	s16 =	simm.s32 $0x1;
	s18 =	simm.s32 $0x8E20  }
0x5: {  	s19 =	simm.s32 $0x2;
	s22 =	simm.s32 $0xAE20;
	s23 =	simm.s32 $0x3  }
0x6: {  	s25 =	simm.s32 $0x5;
	s28 =	simm.s32 $0x6;
	s29 =	simm.s32 $0x7  }
0x7: {  	s30 =	simm.s32 $0x8;
	s21 =	simm.s32 $0x10;
	s0 =	sand.u32 $0x1, s0  }
0x8: {  	[smem:$0x7FF] =	sst s3;
	s5 =	sadd.s32 $0x29600, s1;
	s9 =	smul.u32 $0x9E00, s12  }
0x9: {  	s26 =	sshll.u32 s12, $0x6;
	s4 =	sshll.u32 s0, $0x4;
	_ =	strace $0x8000004A  }
0xa: {  	s6 =	smul.u32 $0x13C00, s0;
	s0 =	ssub.s32 $0x2, s0;
	s4 =	sor.u32 s12, s4  }
0xb: {  	s8 =	sshrl.u32 s0, $0x1;
	s31 =	sadd.s32 s9, s2;
	s20 =	sshrl.u32 s9, $0x3  }
0xc: {  	s12 =	simm.s32 $0x2710;
	s11 =	smul.u32 $0x4E2, s4;
	s4 =	sadd.s32 $0x2200, s1  }
0xd: {  	s10 =	sadd.s32 s6, s1;
	s0 =	ssub.s32 s0, s8;
	s6 =	sor.u32 $0x1C09, s26  }
0xe: {  	s9 =	sshrl.u32 s31, $0x3;
	s26 =	simm.s32 $0x4;
	s17 =	sadd.s32 $0x2AA00, s10  }
0xf: {  	s8 =	smax.u32 s0, $0x1;
	s10 =	simm.s32 $0x9;
	s0 =	simm.s32 $0xCE20  }
0x10: {  	s7 =	sadd.s32 s11, s1;
	s1 =	sadd.s32 $0x1F840, s1;
	s24 =	sadd.s32 s20, s17  }
0x11: {  	s20 =	simm.s32 $0x0;
	s7 =	sadd.s32 $0x15C00, s7;
	s11 =	sadd.s32 s11, s1  }
.LBB2_1:
0x12: {  	[spmem:s9], [sflag:s6] =	dma.local [hbm:s5], $0x13C0  }
0x13: {  	_ =	swait.ge [sflag:s10], $0x13C0  }
0x14: {  	[sflag:s10] =	ssyncset.done $0x0  }
0x15: {  	[sflag:s10] =	ssyncadd.s32 $0xFFFFEC40  }
0x16: {  	[tilespmem:s3], [sflag:$0x9] =	stream.linear.gather [hbm4b:s7+s3], $0x2710, $0x38;
	[tilespmem:$0x17020] =	vst v63  }
0x17: {  	_ =	swait.ge [sflag:s10], $0x2710  }
0x18: {  	[sflag:s10] =	ssyncset.done $0x0  }
0x19: {  	[sflag:s10] =	ssyncadd.s32 $0xFFFFD8F0  }
0x1a: {  	[tilespmem:s12], [sflag:$0x9] =	stream.linear.gather [hbm4b:s11+s3], $0x2710, $0x38;
	[tilespmem:$0x17020] =	vst v63  }
0x1b: {  	_ =	swait.ge [sflag:s10], $0x2710  }
0x1c: {  	[sflag:s10] =	ssyncset.done $0x0  }
0x1d: {  	[sflag:s10] =	ssyncadd.s32 $0xFFFFD8F0  }
0x1e: {  	[bflag:$0x0] =	sbarrier.arrive $0xFFFF  }
0x1f: {  	[tilespmem:s14], [sflag:$0x1] =	stream.indirect.gather [hbm4b:s4+s13], $0x40, s3, s13, $0xb8;
	[tilespmem:$0x17020] =	vst v63  }
0x20: {  	_ = 	snop  }
0x21: {  	[tilespmem:s15], [sflag:$0x2] =	stream.indirect.gather [hbm4b:s4+s13], $0x40, s13, s13, $0xb8;
	[tilespmem:$0x17020] =	vst v63  }
0x22: {  	_ =	swait.ge [sflag:s16], $0x2000  }
0x23: {  	[sflag:s16] =	ssyncset.done $0x0  }
0x24: {  	[sflag:s16] =	ssyncadd.s32 $0xFFFFE000  }
0x25: {  	[spmem:s2] =	stream.indirect.scatter.add.f32 [tilespmem:s14], [sflag:$0x5], $0x40, s12, s13, $0xb8;
	[tilespmem:$0x17020] =	vst v63  }
0x26: {  	s1 =	simm.s32 $0x100  }
0x27: {  	[tilespmem:s18], [sflag:$0x3] =	stream.indirect.gather [hbm4b:s4+s13], $0x40, s1, s13, $0xb8;
	[tilespmem:$0x17020] =	vst v63  }
0x28: {  	_ =	swait.ge [sflag:s19], $0x2000  }
0x29: {  	[sflag:s19] =	ssyncset.done $0x0  }
0x2a: {  	s17 =	simm.s32 $0x2790;
	[sflag:s19] =	ssyncadd.s32 $0xFFFFE000  }
0x2b: {  	[spmem:s2] =	stream.indirect.scatter.add.f32 [tilespmem:s15], [sflag:$0x6], $0x40, s17, s13, $0xb8;
	[tilespmem:$0x17020] =	vst v63  }
0x2c: {  	s17 =	simm.s32 $0x180  }
0x2d: {  	[tilespmem:s22], [sflag:$0x4] =	stream.indirect.gather [hbm4b:s4+s13], $0x40, s17, s13, $0xb8;
	[tilespmem:$0x17020] =	vst v63  }
0x2e: {  	_ =	swait.ge [sflag:s23], $0x2000  }
0x2f: {  	[sflag:s23] =	ssyncset.done $0x0  }
0x30: {  	s17 =	simm.s32 $0x2810;
	[sflag:s23] =	ssyncadd.s32 $0xFFFFE000  }
0x31: {  	[spmem:s2] =	stream.indirect.scatter.add.f32 [tilespmem:s18], [sflag:$0x7], $0x40, s17, s13, $0xb8;
	[tilespmem:$0x17020] =	vst v63  }
0x32: {  	_ =	swait.ge [sflag:s25], $0x2000  }
0x33: {  	[sflag:s25] =	ssyncset.done $0x0  }
0x34: {  	s17 =	simm.s32 $0x200;
	[sflag:s25] =	ssyncadd.s32 $0xFFFFE000  }
0x35: {  	[tilespmem:s14], [sflag:$0x1] =	stream.indirect.gather [hbm4b:s4+s13], $0x40, s17, s13, $0xb8;
	[tilespmem:$0x17020] =	vst v63  }
0x36: {  	_ =	swait.ge [sflag:s26], $0x2000  }
0x37: {  	[sflag:s26] =	ssyncset.done $0x0  }
0x38: {  	s17 =	simm.s32 $0x2890;
	[sflag:s26] =	ssyncadd.s32 $0xFFFFE000  }
0x39: {  	[spmem:s2] =	stream.indirect.scatter.add.f32 [tilespmem:s22], [sflag:$0x8], $0x40, s17, s13, $0xb8;
	[tilespmem:$0x17020] =	vst v63  }
0x3a: {  	_ =	swait.ge [sflag:s28], $0x2000  }
0x3b: {  	[sflag:s28] =	ssyncset.done $0x0  }
0x3c: {  	s17 =	simm.s32 $0x280;
	[sflag:s28] =	ssyncadd.s32 $0xFFFFE000  }
0x3d: {  	[tilespmem:s15], [sflag:$0x2] =	stream.indirect.gather [hbm4b:s4+s13], $0x40, s17, s13, $0xb8;
	[tilespmem:$0x17020] =	vst v63  }
0x3e: {  	_ =	swait.ge [sflag:s16], $0x2000  }
0x3f: {  	[sflag:s16] =	ssyncset.done $0x0  }
0x40: {  	s17 =	simm.s32 $0x2910;
	[sflag:s16] =	ssyncadd.s32 $0xFFFFE000  }
0x41: {  	[spmem:s2] =	stream.indirect.scatter.add.f32 [tilespmem:s14], [sflag:$0x5], $0x40, s17, s13, $0xb8;
	[tilespmem:$0x17020] =	vst v63  }
0x42: {  	_ =	swait.ge [sflag:s29], $0x2000  }
0x43: {  	[sflag:s29] =	ssyncset.done $0x0  }
0x44: {  	s17 =	simm.s32 $0x300;
	[sflag:s29] =	ssyncadd.s32 $0xFFFFE000  }
0x45: {  	[tilespmem:s18], [sflag:$0x3] =	stream.indirect.gather [hbm4b:s4+s13], $0x40, s17, s13, $0xb8;
	[tilespmem:$0x17020] =	vst v63  }
0x46: {  	_ =	swait.ge [sflag:s19], $0x2000  }
0x47: {  	[sflag:s19] =	ssyncset.done $0x0  }
0x48: {  	s17 =	simm.s32 $0x2990;
	[sflag:s19] =	ssyncadd.s32 $0xFFFFE000  }
0x49: {  	[spmem:s2] =	stream.indirect.scatter.add.f32 [tilespmem:s15], [sflag:$0x6], $0x40, s17, s13, $0xb8;
	[tilespmem:$0x17020] =	vst v63  }
0x4a: {  	_ =	swait.ge [sflag:s30], $0x2000  }
0x4b: {  	[sflag:s30] =	ssyncset.done $0x0  }
0x4c: {  	s31 =	simm.s32 $0x800;
	s1 =	simm.s32 $0x380;
	[sflag:s30] =	ssyncadd.s32 $0xFFFFE000  }
.LBB2_2:
0x4d: {  	[tilespmem:s22], [sflag:$0x4] =	stream.indirect.gather [hbm4b:s4+s13], $0x40, s1, s13, $0xb8;
	[tilespmem:$0x17020] =	vst v63  }
0x4e: {  	s1 =	smov.u32 s31  }
0x4f: {  	p0 =	sne.s32 s31, $0x8800;
	s31 =	sadd.s32 $0x800, s31;
	_ =	swait.ge [sflag:s23], $0x2000  }
0x50: {  	s1 =	sshra.s32 s1, $0x2;
	[sflag:s23] =	ssyncset.done $0x0  }
0x51: {  	s17 =	sadd.s32 $0x2810, s1;
	[sflag:s23] =	ssyncadd.s32 $0xFFFFE000  }
0x52: {  	[spmem:s2] =	stream.indirect.scatter.add.f32 [tilespmem:s18], [sflag:$0x7], $0x40, s17, s13, $0xb8;
	[tilespmem:$0x17020] =	vst v63  }
0x53: {  	_ =	swait.ge [sflag:s25], $0x2000  }
0x54: {  	[sflag:s25] =	ssyncset.done $0x0  }
0x55: {  	s17 =	sadd.s32 $0x200, s1;
	[sflag:s25] =	ssyncadd.s32 $0xFFFFE000  }
0x56: {  	[tilespmem:s14], [sflag:$0x1] =	stream.indirect.gather [hbm4b:s4+s13], $0x40, s17, s13, $0xb8;
	[tilespmem:$0x17020] =	vst v63  }
0x57: {  	_ =	swait.ge [sflag:s26], $0x2000  }
0x58: {  	[sflag:s26] =	ssyncset.done $0x0  }
0x59: {  	s17 =	sadd.s32 $0x2890, s1;
	[sflag:s26] =	ssyncadd.s32 $0xFFFFE000  }
0x5a: {  	[spmem:s2] =	stream.indirect.scatter.add.f32 [tilespmem:s22], [sflag:$0x8], $0x40, s17, s13, $0xb8;
	[tilespmem:$0x17020] =	vst v63  }
0x5b: {  	_ =	swait.ge [sflag:s28], $0x2000  }
0x5c: {  	[sflag:s28] =	ssyncset.done $0x0  }
0x5d: {  	s17 =	sadd.s32 $0x280, s1;
	[sflag:s28] =	ssyncadd.s32 $0xFFFFE000  }
0x5e: {  	[tilespmem:s15], [sflag:$0x2] =	stream.indirect.gather [hbm4b:s4+s13], $0x40, s17, s13, $0xb8;
	[tilespmem:$0x17020] =	vst v63  }
0x5f: {  	_ =	swait.ge [sflag:s16], $0x2000  }
0x60: {  	[sflag:s16] =	ssyncset.done $0x0  }
0x61: {  	s17 =	sadd.s32 $0x2910, s1;
	[sflag:s16] =	ssyncadd.s32 $0xFFFFE000  }
0x62: {  	[spmem:s2] =	stream.indirect.scatter.add.f32 [tilespmem:s14], [sflag:$0x5], $0x40, s17, s13, $0xb8;
	[tilespmem:$0x17020] =	vst v63  }
0x63: {  	_ =	swait.ge [sflag:s29], $0x2000  }
0x64: {  	[sflag:s29] =	ssyncset.done $0x0  }
0x65: {  	s17 =	sadd.s32 $0x300, s1;
	[sflag:s29] =	ssyncadd.s32 $0xFFFFE000  }
0x66: {  	[tilespmem:s18], [sflag:$0x3] =	stream.indirect.gather [hbm4b:s4+s13], $0x40, s17, s13, $0xb8;
	[tilespmem:$0x17020] =	vst v63  }
0x67: {  	_ =	swait.ge [sflag:s19], $0x2000  }
0x68: {  	[sflag:s19] =	ssyncset.done $0x0  }
.Ltmp0:
0x69: {  	s17 =	sadd.s32 $0x2990, s1;
	[sflag:s19] =	ssyncadd.s32 $0xFFFFE000;
	(pc) =	sbr.rel @p0 .LBB2_2-.Ltmp0, $4  }
0x6a: {  	[spmem:s2] =	stream.indirect.scatter.add.f32 [tilespmem:s15], [sflag:$0x6], $0x40, s17, s13, $0xb8;
	[tilespmem:$0x17020] =	vst v63  }
0x6b: {  	_ =	swait.ge [sflag:s30], $0x2000  }
0x6c: {  	[sflag:s30] =	ssyncset.done $0x0  }
0x6d: {  	s1 =	sadd.s32 $0x380, s1;
	[sflag:s30] =	ssyncadd.s32 $0xFFFFE000  }
0x6e: {  	[tilespmem:s22], [sflag:$0x4] =	stream.indirect.gather [hbm4b:s4+s13], $0x40, s1, s13, $0xb8;
	[tilespmem:$0x17020] =	vst v63  }
0x6f: {  	_ =	swait.ge [sflag:s23], $0x2000  }
0x70: {  	[sflag:s23] =	ssyncset.done $0x0  }
0x71: {  	s17 =	simm.s32 $0x4C10;
	[sflag:s23] =	ssyncadd.s32 $0xFFFFE000  }
0x72: {  	[spmem:s2] =	stream.indirect.scatter.add.f32 [tilespmem:s18], [sflag:$0x7], $0x40, s17, s13, $0xb8;
	[tilespmem:$0x17020] =	vst v63  }
0x73: {  	_ =	swait.ge [sflag:s25], $0x2000  }
0x74: {  	[sflag:s25] =	ssyncset.done $0x0  }
0x75: {  	s31 =	simm.s32 $0x2600;
	[sflag:s25] =	ssyncadd.s32 $0xFFFFE000  }
0x76: {  	[tilespmem:s14], [sflag:$0x1] =	stream.indirect.gather [hbm4b:s4+s13], $0x40, s31, s13, $0xb8;
	[tilespmem:$0x17020] =	vst v63  }
0x77: {  	_ =	swait.ge [sflag:s26], $0x2000  }
0x78: {  	[sflag:s26] =	ssyncset.done $0x0  }
0x79: {  	s17 =	simm.s32 $0x4C90;
	[sflag:s26] =	ssyncadd.s32 $0xFFFFE000  }
0x7a: {  	[spmem:s2] =	stream.indirect.scatter.add.f32 [tilespmem:s22], [sflag:$0x8], $0x40, s17, s13, $0xb8;
	[tilespmem:$0x17020] =	vst v63  }
0x7b: {  	_ =	swait.ge [sflag:s28], $0x2000  }
0x7c: {  	[sflag:s28] =	ssyncset.done $0x0  }
0x7d: {  	s31 =	simm.s32 $0x2680;
	[sflag:s28] =	ssyncadd.s32 $0xFFFFE000  }
0x7e: {  	[tilespmem:s15], [sflag:$0x2] =	stream.indirect.gather [hbm4b:s4+s13], $0x40, s31, s13, $0xb8;
	[tilespmem:$0x17020] =	vst v63  }
0x7f: {  	_ =	swait.ge [sflag:s16], $0x2000  }
0x80: {  	[sflag:s16] =	ssyncset.done $0x0  }
0x81: {  	s17 =	simm.s32 $0x4D10;
	[sflag:s16] =	ssyncadd.s32 $0xFFFFE000  }
0x82: {  	[spmem:s2] =	stream.indirect.scatter.add.f32 [tilespmem:s14], [sflag:$0x5], $0x40, s17, s13, $0xb8;
	[tilespmem:$0x17020] =	vst v63  }
0x83: {  	_ =	swait.ge [sflag:s29], $0x2000  }
0x84: {  	[sflag:s29] =	ssyncset.done $0x0  }
0x85: {  	s31 =	simm.s32 $0x2700;
	[sflag:s29] =	ssyncadd.s32 $0xFFFFE000  }
0x86: {  	[tilespmem:s0], [sflag:$0x3] =	stream.indirect.gather [hbm4b:s4+s21], $0x40, s31, s21, $0xb8;
	[tilespmem:$0x17020] =	vst v63  }
0x87: {  	_ =	swait.ge [sflag:s19], $0x2000  }
0x88: {  	[sflag:s19] =	ssyncset.done $0x0  }
0x89: {  	s17 =	simm.s32 $0x4D90;
	[sflag:s19] =	ssyncadd.s32 $0xFFFFE000  }
0x8a: {  	[spmem:s2] =	stream.indirect.scatter.add.f32 [tilespmem:s15], [sflag:$0x6], $0x40, s17, s13, $0xb8;
	[tilespmem:$0x17020] =	vst v63  }
0x8b: {  	_ =	swait.ge [sflag:s30], $0x2000  }
0x8c: {  	[sflag:s30] =	ssyncset.done $0x0  }
0x8d: {  	[sflag:s30] =	ssyncadd.s32 $0xFFFFE000  }
0x8e: {  	_ =	swait.ge [sflag:s23], $0x400  }
0x8f: {  	[sflag:s23] =	ssyncset.done $0x0  }
0x90: {  	s31 =	simm.s32 $0x4E10;
	[sflag:s23] =	ssyncadd.s32 $0xFFFFFC00  }
0x91: {  	[spmem:s2] =	stream.indirect.scatter.add.f32 [tilespmem:s0], [sflag:$0x9], $0x40, s31, s21, $0xb8;
	[tilespmem:$0x17020] =	vst v63  }
0x92: {  	_ =	swait.ge [sflag:s10], $0x400  }
0x93: {  	[sflag:s10] =	ssyncset.done $0x0  }
0x94: {  	[sflag:s10] =	ssyncadd.s32 $0xFFFFFC00  }
0x95: {  	_ =	swait.ge [sflag:s25], $0x2000  }
0x96: {  	[sflag:s25] =	ssyncset.done $0x0  }
0x97: {  	[sflag:s25] =	ssyncadd.s32 $0xFFFFE000  }
0x98: {  	_ =	swait.ge [sflag:s28], $0x2000  }
0x99: {  	s20 =	sadd.s32 $0x1, s20;
	[sflag:s28] =	ssyncset.done $0x0  }
0x9a: {  	p0 =	sne.s32 s20, s8;
	[sflag:s28] =	ssyncadd.s32 $0xFFFFE000  }
.Ltmp1:
0x9b: {  	[bflag:$0x0] =	sbarrier.arrive $0xFFFF;
	(pc) =	sbr.rel @p0 .LBB2_1-.Ltmp1, $4  }
0x9c: {  	[hbm:s24], [sflag:s6] =	dma.local [spmem:s9], $0x13C0  }
0x9d: {  	_ =	swait.ge [sflag:s10], $0x13C0  }
0x9e: {  	[sflag:s10] =	ssyncset.done $0x0  }
0x9f: {  	[sflag:s10] =	ssyncadd.s32 $0xFFFFEC40  }
0xa0: {  	_ =	sfence.sel $0x180000  }
0xa1: {  	[bflag:$0x0] =	sbarrier.arrive $0xFFFF  }
0xa2: {  	_ =	strace $0x9000004A  }
0xa3: {  	s0 =	stileid.u32;
	[bflag:$0x2] =	sbarrier.arrive $0xFFFF  }
0xa4: {  	p0 =	sne.s32 s0, $0x0;
	s0 =	rddreg [dreg:$0x2]  }
0xa5: {  	s0 =	sadd.s32 @!p0 $0x100000, s0  }
0xa6: {  	[sflag:s0] =	ssyncadd.tile.s32 @!p0 $0x1;
	_ =	shalt  }
.Lfunc_end2:
_tile_overlayer_lowered:
.L_overlay_start_2:
0xa7: {  	(tag) =	ssettag $0x2  }
0xa8: {  	s0 =	rddreg [dreg:$0x0];
	s2 =	stileid.u32  }
0xa9: {  	s1 =	rddreg [dreg:$0x1];
	p0 =	sne.s32 s2, $0x0  }
0xaa: {  	s3 =	rddreg [dreg:$0x2];
	[bflag:$0x3] =	sbarrier.arrive $0xFFFF;
	s2 =	simm.s32 @!p0 $0x1C09  }
0xab: {  	[timem:s3], [sflag:s2] =	dma.local @!p0 [hbm:s0], s1  }
0xac: {  	s0 =	simm.s32 @!p0 $0x9  }
0xad: {  	_ =	swait.ge @!p0 [sflag:s0], s1  }
0xae: {  	s1 =	ssub.s32 @!p0 $0x0, s1;
	[sflag:s0] =	ssyncset.done @!p0 $0x0  }
0xaf: {  	[sflag:s0] =	ssyncadd.s32 @!p0 s1  }
0xb0: {  	[bflag:$0x3] =	sbarrier.arrive $0xFFFF  }
0xb1: {  	_ =	shalt  }

// kernel: kernel.7.cloned.1.call-start
scs
__scs_entry_jumppad:
0x0: {  	(pc) =	sbr.rel $0x88, $3  }
0x1: {  	(tag) =	ssettag $0x0;
	lr =	simm.s32 $0x1  }
0x2: {  	[smem:$0x3F95] =	sst lr;
	_ =	strace $0xD0000000  }
0x3: {  	_ = 	snop  }
0x4: {  	_ = 	snop  }
0x5: {  	_ = 	snop  }
0x6: {  	_ = 	snop  }
0x7: {  	_ = 	snop  }
__scs_overlays_trampoline_lowered:
0x8: {  	[smem:$0x3FA4] =	sst s0  }
0x9: {  	[smem:$0x3FA5] =	sst s1  }
0xa: {  	[smem:$0x3FA6] =	sst s2  }
0xb: {  	[smem:$0x3FA7] =	sst s3  }
0xc: {  	[smem:$0x3FA8] =	sst s4  }
0xd: {  	[smem:$0x3FA9] =	sst s5  }
0xe: {  	[smem:$0x3FAA] =	sst s6  }
0xf: {  	[smem:$0x3FAB] =	sst s7  }
0x10: {  	[smem:$0x3FAC] =	sst s8  }
0x11: {  	[smem:$0x3FAD] =	sst s9;
	s0 =	simm.s32 @!p0 $0x0  }
0x12: {  	s1 =	sld [smem:$0x3F93];
	s0 =	simm.s32 @p0 $0x1  }
0x13: {  	[smem:$0x3FAE] =	sst s0;
	s0 =	simm.s32 @!p1 $0x0  }
0x14: {  	s2 =	sld [smem:$0x3F92];
	s0 =	simm.s32 @p1 $0x1  }
0x15: {  	[smem:$0x3FAF] =	sst s0;
	s0 =	simm.s32 @!p2 $0x0  }
0x16: {  	s3 =	sld [smem:$0x3FDB];
	s0 =	simm.s32 @p2 $0x1  }
0x17: {  	s4 =	simm.s32 $0x1BF5;
	[smem:$0x3FB1] =	sst s0  }
0x18: {  	s0 =	sld [smem:$0x3F94];
	_ =	swait.ge [sflag:s4], $0x0  }
0x19: {  	s7 =	sld [smem:$0x3F95]  }
0x1a: {  	s8 =	sadd.s32 $0xFFFFE003, lr  }
0x1b: {  	s9 =	sadd.s32 $0xFFFFFEF7, lr;
	s5 =	simm.s32 $0xFFFFFFFF;
	p2 =	slt.u32 s8, $0xFFFFF086  }
0x1c: {  	p1 =	slt.u32 s9, $0xF7A;
	s5 =	simm.s32 @!p2 $0x0  }
0x1d: {  	s5 =	simm.s32 @p1 $0x1;
	p0 =	seq.s32 s7, s2  }
0x1e: {  	s7 =	smul.u32 @!p0 $0xF7A, s2;
	p2 =	seq.s32 @!p0 s5, $0x0  }
0x1f: {  	s9 =	smul.u32 $0xF7A, s1;
	s8 =	simm.s32 @!p0 $0x1BF5;
	p2 =	por !p2, p0  }
0x20: {  	[sflag:s8] =	ssyncset.s32 @!p0 $0xFFFFF086;
	s6 =	sadd.s32 @!p0 s3, s7;
	s7 =	simm.s32 @!p0 $0x108  }
0x21: {  	s3 =	sadd.s32 s3, s9;
	s6 =	sadd.s32 @!p0 $0x88, s6;
	s7 =	simm.s32 @p2 $0x1082  }
0x22: {  	[simem:s7], [sflag:s8] =	dma.local @!p0 [hbm:s6], $0xF7A  }
0x23: {  	s9 =	sor.u32 $0xD0000000, s2;
	s6 =	simm.s32 $0x108;
	_ =	swait.ge @!p0 [sflag:s8], $0x0  }
0x24: {  	s3 =	sadd.s32 $0x88, s3;
	s6 =	simm.s32 @!p1 $0x1082;
	[sflag:s4] =	ssyncset.s32 $0xFFFFF086  }
0x25: {  	[simem:s6], [sflag:s4] =	dma.local [hbm:s3], $0xF7A  }
0x26: {  	[smem:$0x3F95] =	sst s1;
	(tag) =	ssettag s2;
	_ =	strace s9  }
0x27: {  	s1 =	sld [smem:$0x3FA5]  }
0x28: {  	s2 =	sld [smem:$0x3FA6]  }
0x29: {  	s4 =	sld [smem:$0x3FA8]  }
0x2a: {  	p0 =	seq.s32 s5, $0x0;
	s5 =	sld [smem:$0x3FA9]  }
0x2b: {  	s6 =	sld [smem:$0x3FAA]  }
0x2c: {  	s7 =	sld [smem:$0x3FAB]  }
0x2d: {  	s3 =	simm.s32 $0x108;
	s8 =	sld [smem:$0x3FAC]  }
0x2e: {  	s3 =	simm.s32 @!p0 $0x1082;
	s9 =	sld [smem:$0x3FAD]  }
0x2f: {  	lr =	sadd.s32 s0, s3;
	s0 =	sld [smem:$0x3FA4]  }
0x30: {  	s3 =	sld [smem:$0x3FA7]  }
0x31: {  	[smem:$0x3FB0] =	sst s10  }
0x32: {  	s10 =	sld [smem:$0x3FAE];
	_ =	sdelay $0x3  }
0x33: {  	p0 =	seq.s32 s10, $0x1;
	s10 =	sld [smem:$0x3FB0];
	_ =	sdelay $0x3  }
0x34: {  	[smem:$0x3FB0] =	sst s10  }
0x35: {  	s10 =	sld [smem:$0x3FAF];
	_ =	sdelay $0x3  }
0x36: {  	p1 =	seq.s32 s10, $0x1;
	s10 =	sld [smem:$0x3FB0];
	_ =	sdelay $0x3  }
0x37: {  	[smem:$0x3FB0] =	sst s10  }
0x38: {  	s10 =	sld [smem:$0x3FB1]  }
0x39: {  	_ = 	snop;
	(pc) =	sbr.ind lr, $3  }
0x3a: {  	_ = 	snop  }
0x3b: {  	_ = 	snop  }
0x3c: {  	p2 =	seq.s32 s10, $0x1;
	s10 =	sld [smem:$0x3FB0]  }
0x3d: {  	_ =	shalt  }
0x3e: {  	_ =	shalt  }
0x3f: {  	_ =	shalt  }
0x40: {  	_ =	shalt  }
0x41: {  	_ =	shalt  }
0x42: {  	_ =	shalt  }
0x43: {  	_ =	shalt  }
0x44: {  	_ =	shalt  }
0x45: {  	_ =	shalt  }
0x46: {  	_ =	shalt  }
0x47: {  	_ =	shalt  }
0x48: {  	_ =	shalt  }
0x49: {  	_ =	shalt  }
0x4a: {  	_ =	shalt  }
0x4b: {  	_ =	shalt  }
0x4c: {  	_ =	shalt  }
0x4d: {  	_ =	shalt  }
0x4e: {  	_ =	shalt  }
0x4f: {  	_ =	shalt  }
0x50: {  	_ =	shalt  }
0x51: {  	_ =	shalt  }
0x52: {  	_ =	shalt  }
0x53: {  	_ =	shalt  }
0x54: {  	_ =	shalt  }
0x55: {  	_ =	shalt  }
0x56: {  	_ =	shalt  }
0x57: {  	_ =	shalt  }
0x58: {  	_ =	shalt  }
0x59: {  	_ =	shalt  }
0x5a: {  	_ =	shalt  }
0x5b: {  	_ =	shalt  }
0x5c: {  	_ =	shalt  }
0x5d: {  	_ =	shalt  }
0x5e: {  	_ =	shalt  }
0x5f: {  	_ =	shalt  }
0x60: {  	_ =	shalt  }
0x61: {  	_ =	shalt  }
0x62: {  	_ =	shalt  }
0x63: {  	_ =	shalt  }
0x64: {  	_ =	shalt  }
0x65: {  	_ =	shalt  }
0x66: {  	_ =	shalt  }
0x67: {  	_ =	shalt  }
0x68: {  	_ =	shalt  }
0x69: {  	_ =	shalt  }
0x6a: {  	_ =	shalt  }
0x6b: {  	_ =	shalt  }
0x6c: {  	_ =	shalt  }
0x6d: {  	_ =	shalt  }
0x6e: {  	_ =	shalt  }
0x6f: {  	_ =	shalt  }
0x70: {  	_ =	shalt  }
0x71: {  	_ =	shalt  }
0x72: {  	_ =	shalt  }
0x73: {  	_ =	shalt  }
0x74: {  	_ =	shalt  }
0x75: {  	_ =	shalt  }
0x76: {  	_ =	shalt  }
0x77: {  	_ =	shalt  }
0x78: {  	_ =	shalt  }
0x79: {  	_ =	shalt  }
0x7a: {  	_ =	shalt  }
0x7b: {  	_ =	shalt  }
0x7c: {  	_ =	shalt  }
0x7d: {  	_ =	shalt  }
0x7e: {  	_ =	shalt  }
0x7f: {  	_ =	shalt  }
0x80: {  	_ =	shalt  }
0x81: {  	_ =	shalt  }
0x82: {  	_ =	shalt  }
0x83: {  	_ =	shalt  }
0x84: {  	_ =	shalt  }
0x85: {  	_ =	shalt  }
0x86: {  	_ =	shalt  }
0x87: {  	_ =	shalt  }
.Lfunc_end0:
.L_simem_size_0:
called_computation_lowered:
.L_overlay_start_0:
0x88: {  	s2 =	sld [smem:$0x3FD9]  }
0x89: {  	s3 =	sld [smem:$0x3FFE];
	_ =	sdelay $0x1  }
0x8a: {  	s1 =	srdreg.scid  }
0x8b: {  	s0 =	sand.u32 $0x1, s1  }
0x8c: {  	s17 =	sshll.u32 s0, $0xA;
	s2 =	sadd.s32 s3, s2  }
0x8d: {  	s2 =	sadd.s32 s2, s17  }
0x8e: {  	[smem:$0x3FBC] =	sst s2  }
0x8f: {  	_ = 	snop  }
0x90: {  	s2 =	sld [smem:$0x3FD0];
	(tm) =	ssettm $0x1  }
0x91: {  	s18 =	sld [smem:$0x3FFB];
	_ =	sdelay $0x3  }
0x92: {  	_ =	strace s18  }
0x93: {  	s3 =	sld [smem:$0x3FFC];
	_ =	sdelay $0x3  }
0x94: {  	_ =	strace s3  }
0x95: {  	s3 =	sld [smem:$0x3FFD];
	_ =	sdelay $0x3  }
0x96: {  	_ =	strace s3  }
0x97: {  	_ =	strace $0x8FFFFFFF  }
0x98: {  	s19 =	sld [smem:$0x3FDB];
	_ =	sdelay $0x1  }
0x99: {  	s4 =	simm.s32 $_scs_section_size  }
0x9a: {  	s5 =	simm.s32 $_size__tile_overlayer_lowered;
	s6 =	simm.s32 $_tile_overlayer_lowered  }
0x9b: {  	s22 =	simm.s32 $0x1BFF;
	s21 =	sshll.u32 s6, $0x1;
	s3 =	sadd.s32 s4, s19  }
0x9c: {  	s7 =	simm.s32 $0x0;
	s20 =	sshll.u32 s5, $0x1;
	s5 =	sadd.s32 s21, s3  }
0x9d: {  	[timem:s7], [sflag:s22] =	dma.local [hbm:s5], s20  }
0x9e: {  	_ =	swait.ge [sflag:s22], s20  }
0x9f: {  	s4 =	ssub.s32 $0x0, s20;
	[sflag:s22] =	ssyncset.done $0x0  }
0xa0: {  	[sflag:s22] =	ssyncadd.s32 s4;
	_ =	sdelay $0x1  }
0xa1: {  	s23 =	simm.s32 $0x1B8B  }
0xa2: {  	_ =	swait.ge [sflag:s23], $0x1  }
0xa3: {  	[sflag:s23] =	ssyncset.done $0x0  }
0xa4: {  	s25 =	simm.s32 $0x1B8E;
	s24 =	sld [smem:$0x3FFE];
	[sflag:s23] =	ssyncadd.s32 $0xFFFFFFFF  }
0xa5: {  	s26 =	simm.s32 $execute0_lowered;
	[smem:$0x3FD2] =	sst s25  }
0xa6: {  	s5 =	sshll.u32 s26, $0x1;
	_ =	strace $0x80000046;
	[dreg:$0x1] =	wrdreg $0xFFFFFFFF  }
0xa7: {  	s28 =	simm.s32 $_size_execute0_lowered;
	s3 =	sadd.s32 s3, s5;
	[dreg:$0x0] =	wrdreg $0x0  }
0xa8: {  	s5 =	sshll.u32 s28, $0x1;
	[dreg:$0x2] =	wrdreg s3  }
0xa9: {  	[dreg:$0x3] =	wrdreg s5  }
0xaa: {  	[dreg:$0x4] =	wrdreg $0xC0  }
0xab: {  	_ =	task [dreg:s7], $0x5FFFF  }
0xac: {  	[dreg:$0x1] =	wrdreg $0xFFFFFFFF  }
0xad: {  	[dreg:$0x0] =	wrdreg $0x60  }
0xae: {  	[dreg:$0x2] =	wrdreg s24  }
0xaf: {  	[dreg:$0x3] =	wrdreg s2  }
0xb0: {  	[dreg:$0x4] =	wrdreg $0xD2200  }
0xb1: {  	[dreg:$0x5] =	wrdreg $0x178200  }
0xb2: {  	[dreg:$0x6] =	wrdreg $0x9  }
0xb3: {  	_ =	task.clear_ibuf [dreg:s7], $0x7FFFF;
	_ =	strace $0x90000046  }
0xb4: {  	s29 =	simm.s32 $0x9;
	_ =	strace $0x80000048  }
0xb5: {  	_ =	swait.ge [sflag:s29], $0x1  }
0xb6: {  	[sflag:s29] =	ssyncadd.s32 $0xFFFFFFFF  }
0xb7: {  	_ =	strace $0x90000048  }
0xb8: {  	_ =	sfence  }
0xb9: {  	s30 =	sld [smem:$0x0];
	_ =	sdelay $0x2  }
0xba: {  	s31 =	sshll.u32 s1, $0xD;
	s1 =	sshrl.u32 s1, $0x2  }
0xbb: {  	s3 =	sand.u32 $0x4000, s31;
	s1 =	sadd.s32 s1, s30  }
0xbc: {  	s0 =	sor.u32 s3, s0;
	s1 =	sshll.u32 s1, $0x11  }
0xbd: {  	s0 =	sor.u32 s1, s0  }
0xbe: {  	s0 =	sadd.s32 $0x8F2B, s0  }
0xbf: {  	[sflag:s0] =	ssyncadd.remote.s32 $0x1  }
0xc0: {  	_ =	sfence.sel $0xFFFF  }
0xc1: {  	[dreg:$0x0] =	wrdreg $0xFFFFFFFF;
	(pc) =	sbr.abs _section_cstart, $3  }
0xc2: {  	[dreg:$0x1] =	wrdreg $0xFFFFFFFF  }
0xc3: {  	_ =	task.clear_ibuf [dreg:s7], $0x2FFFF;
	_ =	strace $0x9FFFFFFF  }
0xc4: {  	(tm) =	ssettm $0x7FFFFFFF  }
0xc5: {  	_ =	shalt  }
tec
execute0_lowered:
.L_overlay_start_1:
0x0: {  	(tag) =	ssettag $0x1  }
0x1: {  	s0 =	rddreg [dreg:$0x0]  }
0x2: {  	s1 =	srdreg.scid;
	s3 =	rddreg [dreg:$0x2]  }
0x3: {  	s4 =	rddreg [dreg:$0x3];
	s13 =	stileid.u32;
	s5 =	simm.s32 $0x0  }
0x4: {  	s17 =	simm.s32 $0x2710;
	s18 =	simm.s32 $0x80;
	s19 =	simm.s32 $0x4E20  }
0x5: {  	s28 =	simm.s32 $0x2;
	s30 =	simm.s32 $0xAE20;
	s31 =	simm.s32 $0x3  }
0x6: {  	s29 =	simm.s32 $0x6;
	s16 =	simm.s32 $0x10;
	s1 =	sand.u32 $0x1, s1  }
0x7: {  	[smem:$0x7FF] =	sst s5;
	s6 =	sadd.s32 $0x2200, s0;
	s10 =	sadd.s32 $0x2AA00, s0  }
0x8: {  	s20 =	sadd.s32 $0x29600, s0;
	s11 =	smul.u32 $0x9E00, s13;
	s12 =	sshll.u32 s13, $0x6  }
0x9: {  	_ =	strace $0x80000047;
	s7 =	smul.u32 $0x13C00, s1;
	[dreg:$0x5] =	wrdreg s10  }
0xa: {  	s2 =	sshll.u32 s1, $0x4;
	s9 =	smul.u32 $0x4F00, s1;
	[dreg:$0x6] =	wrdreg s20  }
0xb: {  	s1 =	ssub.s32 $0x2, s1;
	s20 =	simm.s32 $0x6E20;
	s2 =	sor.u32 s13, s2  }
0xc: {  	s22 =	sshrl.u32 s1, $0x1;
	s13 =	smul.u32 $0x2780, s13;
	s14 =	sadd.s32 s11, s3  }
0xd: {  	s23 =	sshrl.u32 s11, $0x3;
	s11 =	simm.s32 $0x0;
	s2 =	smul.u32 $0x4E2, s2  }
0xe: {  	s7 =	sadd.s32 s7, s0;
	s21 =	sadd.s32 s9, s0;
	s1 =	ssub.s32 s1, s22  }
0xf: {  	s9 =	sor.u32 $0x1C0B, s12;
	s12 =	sshrl.u32 s14, $0x3;
	s15 =	sadd.s32 s13, s4  }
0x10: {  	s7 =	sadd.s32 $0x34A00, s7;
	s10 =	sadd.s32 $0x2AC00, s21;
	s24 =	sshrl.u32 s13, $0x3  }
0x11: {  	s1 =	smax.u32 s1, $0x1;
	s13 =	simm.s32 $0xB;
	s8 =	sadd.s32 s2, s0  }
0x12: {  	s0 =	sadd.s32 $0x1F840, s0;
	[dreg:$0x8] =	wrdreg s1;
	s14 =	sshrl.u32 s15, $0x3  }
0x13: {  	s15 =	simm.s32 $0x17020;
	s25 =	sadd.s32 s23, s7;
	s23 =	simm.s32 $0x1  }
0x14: {  	s26 =	sadd.s32 s24, s10;
	s1 =	simm.s32 $0x9;
	s7 =	simm.s32 $0x7  }
0x15: {  	s10 =	simm.s32 $0x4E10;
	s8 =	sadd.s32 $0x15C00, s8;
	[dreg:$0xa] =	wrdreg s25  }
0x16: {  	s0 =	sadd.s32 s2, s0;
	[dreg:$0xb] =	wrdreg s26;
	s26 =	simm.s32 $0x8E20  }
0x17: {  	s2 =	simm.s32 $0x5;
	s25 =	simm.s32 $0xA;
	[dreg:$0x7] =	wrdreg s8  }
0x18: {  	[dreg:$0x9] =	wrdreg s0;
	s0 =	simm.s32 $0x4;
	s8 =	simm.s32 $0x8  }
.LBB2_1:
0x19: {  	s21 =	rddreg [dreg:$0x6]  }
0x1a: {  	[spmem:s12], [sflag:s9] =	dma.local [hbm:s21], $0x13C0  }
0x1b: {  	_ =	swait.ge [sflag:s13], $0x13C0  }
0x1c: {  	[sflag:s13] =	ssyncset.done $0x0  }
0x1d: {  	[sflag:s13] =	ssyncadd.s32 $0xFFFFEC40  }
0x1e: {  	s24 =	rddreg [dreg:$0x1]  }
0x1f: {  	[spmem:s14], [sflag:s9] =	dma.local [hbm:s24], $0x4F0  }
0x20: {  	_ =	swait.ge [sflag:s13], $0x4F0  }
0x21: {  	[sflag:s13] =	ssyncset.done $0x0  }
0x22: {  	s22 =	rddreg [dreg:$0x5];
	[sflag:s13] =	ssyncadd.s32 $0xFFFFFB10  }
0x23: {  	[tilespmem:s15], [sflag:$0xB] =	stream.linear.gather [hbm4b:s22+s5], $0x800, $0x38;
	[tilespmem:$0x19FA0] =	vst v63  }
0x24: {  	_ =	swait.ge [sflag:s13], $0x800  }
0x25: {  	[sflag:s13] =	ssyncset.done $0x0  }
0x26: {  	s24 =	rddreg [dreg:$0x7];
	[sflag:s13] =	ssyncadd.s32 $0xFFFFF800  }
0x27: {  	[tilespmem:s5], [sflag:$0xB] =	stream.linear.gather [hbm4b:s24+s5], $0x2710, $0x38;
	[tilespmem:$0x19FA0] =	vst v63  }
0x28: {  	_ =	swait.ge [sflag:s13], $0x2710  }
0x29: {  	[sflag:s13] =	ssyncset.done $0x0  }
0x2a: {  	s22 =	rddreg [dreg:$0x9];
	[sflag:s13] =	ssyncadd.s32 $0xFFFFD8F0  }
0x2b: {  	[tilespmem:s17], [sflag:$0xB] =	stream.linear.gather [hbm4b:s22+s5], $0x2710, $0x38;
	[tilespmem:$0x19FA0] =	vst v63  }
0x2c: {  	_ =	swait.ge [sflag:s13], $0x2710  }
0x2d: {  	[sflag:s13] =	ssyncset.done $0x0  }
0x2e: {  	[sflag:s13] =	ssyncadd.s32 $0xFFFFD8F0  }
0x2f: {  	[bflag:$0x0] =	sbarrier.arrive $0xFFFF  }
0x30: {  	[tilespmem:s19], [sflag:$0x1] =	stream.indirect.gather [hbm4b:s6+s18], $0x40, s5, s18, $0xb8;
	[tilespmem:$0x19FA0] =	vst v63  }
0x31: {  	_ = 	snop  }
0x32: {  	[tilespmem:s20], [sflag:$0x2] =	stream.indirect.gather [hbm4b:s6+s18], $0x40, s18, s18, $0xb8;
	[tilespmem:$0x19FA0] =	vst v63  }
0x33: {  	_ = 	snop  }
0x34: {  	[spmem:s4] =	stream.indirect.scatter.add.f32 [tilespmem:s15], [sflag:$0x9], $0x10, s17, s18, $0xb8;
	[tilespmem:$0x19FA0] =	vst v63  }
0x35: {  	s24 =	simm.s32 $0x2790  }
0x36: {  	[spmem:s4] =	stream.indirect.scatter.add.f32 [tilespmem:s15], [sflag:$0xA], $0x10, s24, s18, $0xb8;
	[tilespmem:$0x19FA0] =	vst v63  }
0x37: {  	_ =	swait.ge [sflag:s23], $0x2000  }
0x38: {  	[sflag:s23] =	ssyncset.done $0x0  }
0x39: {  	[sflag:s23] =	ssyncadd.s32 $0xFFFFE000  }
0x3a: {  	[spmem:s3] =	stream.indirect.scatter.add.f32 [tilespmem:s19], [sflag:$0x5], $0x40, s17, s18, $0xb8;
	[tilespmem:$0x19FA0] =	vst v63  }
0x3b: {  	s22 =	simm.s32 $0x100  }
0x3c: {  	[tilespmem:s26], [sflag:$0x3] =	stream.indirect.gather [hbm4b:s6+s18], $0x40, s22, s18, $0xb8;
	[tilespmem:$0x19FA0] =	vst v63  }
0x3d: {  	_ =	swait.ge [sflag:s28], $0x2000  }
0x3e: {  	[sflag:s28] =	ssyncset.done $0x0  }
0x3f: {  	[sflag:s28] =	ssyncadd.s32 $0xFFFFE000  }
0x40: {  	[spmem:s3] =	stream.indirect.scatter.add.f32 [tilespmem:s20], [sflag:$0x6], $0x40, s24, s18, $0xb8;
	[tilespmem:$0x19FA0] =	vst v63  }
0x41: {  	s22 =	simm.s32 $0x180  }
0x42: {  	[tilespmem:s30], [sflag:$0x4] =	stream.indirect.gather [hbm4b:s6+s18], $0x40, s22, s18, $0xb8;
	[tilespmem:$0x19FA0] =	vst v63  }
0x43: {  	_ =	swait.ge [sflag:s31], $0x2000  }
0x44: {  	[sflag:s31] =	ssyncset.done $0x0  }
0x45: {  	s24 =	simm.s32 $0x2810;
	[sflag:s31] =	ssyncadd.s32 $0xFFFFE000  }
0x46: {  	[spmem:s3] =	stream.indirect.scatter.add.f32 [tilespmem:s26], [sflag:$0x7], $0x40, s24, s18, $0xb8;
	[tilespmem:$0x19FA0] =	vst v63  }
0x47: {  	_ =	swait.ge [sflag:s1], $0x800  }
0x48: {  	[sflag:s1] =	ssyncset.done $0x0  }
0x49: {  	[sflag:s1] =	ssyncadd.s32 $0xFFFFF800  }
0x4a: {  	[spmem:s4] =	stream.indirect.scatter.add.f32 [tilespmem:s15], [sflag:$0x9], $0x10, s24, s18, $0xb8;
	[tilespmem:$0x19FA0] =	vst v63  }
0x4b: {  	_ =	swait.ge [sflag:s2], $0x2000  }
0x4c: {  	[sflag:s2] =	ssyncset.done $0x0  }
0x4d: {  	s22 =	simm.s32 $0x200;
	[sflag:s2] =	ssyncadd.s32 $0xFFFFE000  }
0x4e: {  	[tilespmem:s19], [sflag:$0x1] =	stream.indirect.gather [hbm4b:s6+s18], $0x40, s22, s18, $0xb8;
	[tilespmem:$0x19FA0] =	vst v63  }
0x4f: {  	_ =	swait.ge [sflag:s0], $0x2000  }
0x50: {  	[sflag:s0] =	ssyncset.done $0x0  }
0x51: {  	s24 =	simm.s32 $0x2890;
	[sflag:s0] =	ssyncadd.s32 $0xFFFFE000  }
0x52: {  	[spmem:s3] =	stream.indirect.scatter.add.f32 [tilespmem:s30], [sflag:$0x8], $0x40, s24, s18, $0xb8;
	[tilespmem:$0x19FA0] =	vst v63  }
0x53: {  	_ =	swait.ge [sflag:s25], $0x800  }
0x54: {  	[sflag:s25] =	ssyncset.done $0x0  }
0x55: {  	[sflag:s25] =	ssyncadd.s32 $0xFFFFF800  }
0x56: {  	[spmem:s4] =	stream.indirect.scatter.add.f32 [tilespmem:s15], [sflag:$0xA], $0x10, s24, s18, $0xb8;
	[tilespmem:$0x19FA0] =	vst v63  }
0x57: {  	_ =	swait.ge [sflag:s29], $0x2000  }
0x58: {  	[sflag:s29] =	ssyncset.done $0x0  }
0x59: {  	s22 =	simm.s32 $0x280;
	[sflag:s29] =	ssyncadd.s32 $0xFFFFE000  }
0x5a: {  	[tilespmem:s20], [sflag:$0x2] =	stream.indirect.gather [hbm4b:s6+s18], $0x40, s22, s18, $0xb8;
	[tilespmem:$0x19FA0] =	vst v63  }
0x5b: {  	_ =	swait.ge [sflag:s23], $0x2000  }
0x5c: {  	[sflag:s23] =	ssyncset.done $0x0  }
0x5d: {  	s24 =	simm.s32 $0x2910;
	[sflag:s23] =	ssyncadd.s32 $0xFFFFE000  }
0x5e: {  	[spmem:s3] =	stream.indirect.scatter.add.f32 [tilespmem:s19], [sflag:$0x5], $0x40, s24, s18, $0xb8;
	[tilespmem:$0x19FA0] =	vst v63  }
0x5f: {  	_ =	swait.ge [sflag:s1], $0x800  }
0x60: {  	[sflag:s1] =	ssyncset.done $0x0  }
0x61: {  	[sflag:s1] =	ssyncadd.s32 $0xFFFFF800  }
0x62: {  	[spmem:s4] =	stream.indirect.scatter.add.f32 [tilespmem:s15], [sflag:$0x9], $0x10, s24, s18, $0xb8;
	[tilespmem:$0x19FA0] =	vst v63  }
0x63: {  	_ =	swait.ge [sflag:s7], $0x2000  }
0x64: {  	[sflag:s7] =	ssyncset.done $0x0  }
0x65: {  	s22 =	simm.s32 $0x300;
	[sflag:s7] =	ssyncadd.s32 $0xFFFFE000  }
0x66: {  	[tilespmem:s26], [sflag:$0x3] =	stream.indirect.gather [hbm4b:s6+s18], $0x40, s22, s18, $0xb8;
	[tilespmem:$0x19FA0] =	vst v63  }
0x67: {  	_ =	swait.ge [sflag:s28], $0x2000  }
0x68: {  	[sflag:s28] =	ssyncset.done $0x0  }
0x69: {  	s24 =	simm.s32 $0x2990;
	[sflag:s28] =	ssyncadd.s32 $0xFFFFE000  }
0x6a: {  	[spmem:s3] =	stream.indirect.scatter.add.f32 [tilespmem:s20], [sflag:$0x6], $0x40, s24, s18, $0xb8;
	[tilespmem:$0x19FA0] =	vst v63  }
0x6b: {  	_ =	swait.ge [sflag:s25], $0x800  }
0x6c: {  	[sflag:s25] =	ssyncset.done $0x0  }
0x6d: {  	[sflag:s25] =	ssyncadd.s32 $0xFFFFF800  }
0x6e: {  	[spmem:s4] =	stream.indirect.scatter.add.f32 [tilespmem:s15], [sflag:$0xA], $0x10, s24, s18, $0xb8;
	[tilespmem:$0x19FA0] =	vst v63  }
0x6f: {  	_ =	swait.ge [sflag:s8], $0x2000  }
0x70: {  	[sflag:s8] =	ssyncset.done $0x0  }
0x71: {  	s21 =	simm.s32 $0x800;
	s22 =	simm.s32 $0x380;
	[sflag:s8] =	ssyncadd.s32 $0xFFFFE000  }
.LBB2_2:
0x72: {  	[tilespmem:s30], [sflag:$0x4] =	stream.indirect.gather [hbm4b:s6+s18], $0x40, s22, s18, $0xb8;
	[tilespmem:$0x19FA0] =	vst v63  }
0x73: {  	s22 =	smov.u32 s21  }
0x74: {  	p0 =	sne.s32 s21, $0x8800;
	s21 =	sadd.s32 $0x800, s21;
	_ =	swait.ge [sflag:s31], $0x2000  }
0x75: {  	s22 =	sshra.s32 s22, $0x2;
	[sflag:s31] =	ssyncset.done $0x0  }
0x76: {  	s24 =	sadd.s32 $0x2810, s22;
	[sflag:s31] =	ssyncadd.s32 $0xFFFFE000  }
0x77: {  	[spmem:s3] =	stream.indirect.scatter.add.f32 [tilespmem:s26], [sflag:$0x7], $0x40, s24, s18, $0xb8;
	[tilespmem:$0x19FA0] =	vst v63  }
0x78: {  	_ =	swait.ge [sflag:s1], $0x800  }
0x79: {  	[sflag:s1] =	ssyncset.done $0x0  }
0x7a: {  	[sflag:s1] =	ssyncadd.s32 $0xFFFFF800  }
0x7b: {  	[spmem:s4] =	stream.indirect.scatter.add.f32 [tilespmem:s15], [sflag:$0x9], $0x10, s24, s18, $0xb8;
	[tilespmem:$0x19FA0] =	vst v63  }
0x7c: {  	_ =	swait.ge [sflag:s2], $0x2000  }
0x7d: {  	[sflag:s2] =	ssyncset.done $0x0  }
0x7e: {  	s24 =	sadd.s32 $0x200, s22;
	[sflag:s2] =	ssyncadd.s32 $0xFFFFE000  }
0x7f: {  	[tilespmem:s19], [sflag:$0x1] =	stream.indirect.gather [hbm4b:s6+s18], $0x40, s24, s18, $0xb8;
	[tilespmem:$0x19FA0] =	vst v63  }
0x80: {  	_ =	swait.ge [sflag:s0], $0x2000  }
0x81: {  	[sflag:s0] =	ssyncset.done $0x0  }
0x82: {  	s24 =	sadd.s32 $0x2890, s22;
	[sflag:s0] =	ssyncadd.s32 $0xFFFFE000  }
0x83: {  	[spmem:s3] =	stream.indirect.scatter.add.f32 [tilespmem:s30], [sflag:$0x8], $0x40, s24, s18, $0xb8;
	[tilespmem:$0x19FA0] =	vst v63  }
0x84: {  	_ =	swait.ge [sflag:s25], $0x800  }
0x85: {  	[sflag:s25] =	ssyncset.done $0x0  }
0x86: {  	[sflag:s25] =	ssyncadd.s32 $0xFFFFF800  }
0x87: {  	[spmem:s4] =	stream.indirect.scatter.add.f32 [tilespmem:s15], [sflag:$0xA], $0x10, s24, s18, $0xb8;
	[tilespmem:$0x19FA0] =	vst v63  }
0x88: {  	_ =	swait.ge [sflag:s29], $0x2000  }
0x89: {  	[sflag:s29] =	ssyncset.done $0x0  }
0x8a: {  	s24 =	sadd.s32 $0x280, s22;
	[sflag:s29] =	ssyncadd.s32 $0xFFFFE000  }
0x8b: {  	[tilespmem:s20], [sflag:$0x2] =	stream.indirect.gather [hbm4b:s6+s18], $0x40, s24, s18, $0xb8;
	[tilespmem:$0x19FA0] =	vst v63  }
0x8c: {  	_ =	swait.ge [sflag:s23], $0x2000  }
0x8d: {  	[sflag:s23] =	ssyncset.done $0x0  }
0x8e: {  	s24 =	sadd.s32 $0x2910, s22;
	[sflag:s23] =	ssyncadd.s32 $0xFFFFE000  }
0x8f: {  	[spmem:s3] =	stream.indirect.scatter.add.f32 [tilespmem:s19], [sflag:$0x5], $0x40, s24, s18, $0xb8;
	[tilespmem:$0x19FA0] =	vst v63  }
0x90: {  	_ =	swait.ge [sflag:s1], $0x800  }
0x91: {  	[sflag:s1] =	ssyncset.done $0x0  }
0x92: {  	[sflag:s1] =	ssyncadd.s32 $0xFFFFF800  }
0x93: {  	[spmem:s4] =	stream.indirect.scatter.add.f32 [tilespmem:s15], [sflag:$0x9], $0x10, s24, s18, $0xb8;
	[tilespmem:$0x19FA0] =	vst v63  }
0x94: {  	_ =	swait.ge [sflag:s7], $0x2000  }
0x95: {  	[sflag:s7] =	ssyncset.done $0x0  }
0x96: {  	s24 =	sadd.s32 $0x300, s22;
	[sflag:s7] =	ssyncadd.s32 $0xFFFFE000  }
0x97: {  	[tilespmem:s26], [sflag:$0x3] =	stream.indirect.gather [hbm4b:s6+s18], $0x40, s24, s18, $0xb8;
	[tilespmem:$0x19FA0] =	vst v63  }
0x98: {  	_ =	swait.ge [sflag:s28], $0x2000  }
0x99: {  	[sflag:s28] =	ssyncset.done $0x0  }
0x9a: {  	s24 =	sadd.s32 $0x2990, s22;
	[sflag:s28] =	ssyncadd.s32 $0xFFFFE000  }
0x9b: {  	[spmem:s3] =	stream.indirect.scatter.add.f32 [tilespmem:s20], [sflag:$0x6], $0x40, s24, s18, $0xb8;
	[tilespmem:$0x19FA0] =	vst v63  }
0x9c: {  	_ =	swait.ge [sflag:s25], $0x800  }
0x9d: {  	[sflag:s25] =	ssyncset.done $0x0  }
.Ltmp0:
0x9e: {  	[sflag:s25] =	ssyncadd.s32 $0xFFFFF800;
	(pc) =	sbr.rel @p0 .LBB2_2-.Ltmp0, $4  }
0x9f: {  	[spmem:s4] =	stream.indirect.scatter.add.f32 [tilespmem:s15], [sflag:$0xA], $0x10, s24, s18, $0xb8;
	[tilespmem:$0x19FA0] =	vst v63  }
0xa0: {  	_ =	swait.ge [sflag:s8], $0x2000  }
0xa1: {  	[sflag:s8] =	ssyncset.done $0x0  }
0xa2: {  	s22 =	sadd.s32 $0x380, s22;
	[sflag:s8] =	ssyncadd.s32 $0xFFFFE000  }
0xa3: {  	[tilespmem:s30], [sflag:$0x4] =	stream.indirect.gather [hbm4b:s6+s18], $0x40, s22, s18, $0xb8;
	[tilespmem:$0x19FA0] =	vst v63  }
0xa4: {  	_ =	swait.ge [sflag:s31], $0x2000  }
0xa5: {  	[sflag:s31] =	ssyncset.done $0x0  }
0xa6: {  	s21 =	simm.s32 $0x4C10;
	[sflag:s31] =	ssyncadd.s32 $0xFFFFE000  }
0xa7: {  	[spmem:s3] =	stream.indirect.scatter.add.f32 [tilespmem:s26], [sflag:$0x7], $0x40, s21, s18, $0xb8;
	[tilespmem:$0x19FA0] =	vst v63  }
0xa8: {  	_ =	swait.ge [sflag:s1], $0x800  }
0xa9: {  	[sflag:s1] =	ssyncset.done $0x0  }
0xaa: {  	[sflag:s1] =	ssyncadd.s32 $0xFFFFF800  }
0xab: {  	[spmem:s4] =	stream.indirect.scatter.add.f32 [tilespmem:s15], [sflag:$0x9], $0x10, s21, s18, $0xb8;
	[tilespmem:$0x19FA0] =	vst v63  }
0xac: {  	_ =	swait.ge [sflag:s2], $0x2000  }
0xad: {  	[sflag:s2] =	ssyncset.done $0x0  }
0xae: {  	s24 =	simm.s32 $0x2600;
	[sflag:s2] =	ssyncadd.s32 $0xFFFFE000  }
0xaf: {  	[tilespmem:s19], [sflag:$0x1] =	stream.indirect.gather [hbm4b:s6+s18], $0x40, s24, s18, $0xb8;
	[tilespmem:$0x19FA0] =	vst v63  }
0xb0: {  	_ =	swait.ge [sflag:s0], $0x2000  }
0xb1: {  	[sflag:s0] =	ssyncset.done $0x0  }
0xb2: {  	s22 =	simm.s32 $0x4C90;
	[sflag:s0] =	ssyncadd.s32 $0xFFFFE000  }
0xb3: {  	[spmem:s3] =	stream.indirect.scatter.add.f32 [tilespmem:s30], [sflag:$0x8], $0x40, s22, s18, $0xb8;
	[tilespmem:$0x19FA0] =	vst v63  }
0xb4: {  	_ =	swait.ge [sflag:s25], $0x800  }
0xb5: {  	[sflag:s25] =	ssyncset.done $0x0  }
0xb6: {  	[sflag:s25] =	ssyncadd.s32 $0xFFFFF800  }
0xb7: {  	[spmem:s4] =	stream.indirect.scatter.add.f32 [tilespmem:s15], [sflag:$0xA], $0x10, s22, s18, $0xb8;
	[tilespmem:$0x19FA0] =	vst v63  }
0xb8: {  	_ =	swait.ge [sflag:s29], $0x2000  }
0xb9: {  	[sflag:s29] =	ssyncset.done $0x0  }
0xba: {  	s24 =	simm.s32 $0x2680;
	[sflag:s29] =	ssyncadd.s32 $0xFFFFE000  }
0xbb: {  	[tilespmem:s20], [sflag:$0x2] =	stream.indirect.gather [hbm4b:s6+s18], $0x40, s24, s18, $0xb8;
	[tilespmem:$0x19FA0] =	vst v63  }
0xbc: {  	_ =	swait.ge [sflag:s23], $0x2000  }
0xbd: {  	[sflag:s23] =	ssyncset.done $0x0  }
0xbe: {  	s22 =	simm.s32 $0x4D10;
	[sflag:s23] =	ssyncadd.s32 $0xFFFFE000  }
0xbf: {  	[spmem:s3] =	stream.indirect.scatter.add.f32 [tilespmem:s19], [sflag:$0x5], $0x40, s22, s18, $0xb8;
	[tilespmem:$0x19FA0] =	vst v63  }
0xc0: {  	_ =	swait.ge [sflag:s1], $0x800  }
0xc1: {  	[sflag:s1] =	ssyncset.done $0x0  }
0xc2: {  	[sflag:s1] =	ssyncadd.s32 $0xFFFFF800  }
0xc3: {  	[spmem:s4] =	stream.indirect.scatter.add.f32 [tilespmem:s15], [sflag:$0x9], $0x10, s22, s18, $0xb8;
	[tilespmem:$0x19FA0] =	vst v63  }
0xc4: {  	_ =	swait.ge [sflag:s7], $0x2000  }
0xc5: {  	[sflag:s7] =	ssyncset.done $0x0  }
0xc6: {  	s24 =	simm.s32 $0x2700;
	s22 =	simm.s32 $0xCE20;
	[sflag:s7] =	ssyncadd.s32 $0xFFFFE000  }
0xc7: {  	[tilespmem:s22], [sflag:$0x3] =	stream.indirect.gather [hbm4b:s6+s16], $0x40, s24, s16, $0xb8;
	[tilespmem:$0x19FA0] =	vst v63  }
0xc8: {  	_ =	swait.ge [sflag:s28], $0x2000  }
0xc9: {  	[sflag:s28] =	ssyncset.done $0x0  }
0xca: {  	s24 =	simm.s32 $0x4D90;
	[sflag:s28] =	ssyncadd.s32 $0xFFFFE000  }
0xcb: {  	[spmem:s3] =	stream.indirect.scatter.add.f32 [tilespmem:s20], [sflag:$0x6], $0x40, s24, s18, $0xb8;
	[tilespmem:$0x19FA0] =	vst v63  }
0xcc: {  	_ =	swait.ge [sflag:s25], $0x800  }
0xcd: {  	[sflag:s25] =	ssyncset.done $0x0  }
0xce: {  	[sflag:s25] =	ssyncadd.s32 $0xFFFFF800  }
0xcf: {  	[spmem:s4] =	stream.indirect.scatter.add.f32 [tilespmem:s15], [sflag:$0xA], $0x10, s24, s18, $0xb8;
	[tilespmem:$0x19FA0] =	vst v63  }
0xd0: {  	_ =	swait.ge [sflag:s8], $0x2000  }
0xd1: {  	[sflag:s8] =	ssyncset.done $0x0  }
0xd2: {  	[sflag:s8] =	ssyncadd.s32 $0xFFFFE000  }
0xd3: {  	_ =	swait.ge [sflag:s31], $0x400  }
0xd4: {  	[sflag:s31] =	ssyncset.done $0x0  }
0xd5: {  	[sflag:s31] =	ssyncadd.s32 $0xFFFFFC00  }
0xd6: {  	[spmem:s3] =	stream.indirect.scatter.add.f32 [tilespmem:s22], [sflag:$0xB], $0x40, s10, s16, $0xb8;
	[tilespmem:$0x19FA0] =	vst v63  }
0xd7: {  	_ =	swait.ge [sflag:s13], $0x400  }
0xd8: {  	[sflag:s13] =	ssyncset.done $0x0  }
0xd9: {  	[sflag:s13] =	ssyncadd.s32 $0xFFFFFC00  }
0xda: {  	_ =	swait.ge [sflag:s1], $0x800  }
0xdb: {  	[sflag:s1] =	ssyncset.done $0x0  }
0xdc: {  	[sflag:s1] =	ssyncadd.s32 $0xFFFFF800  }
0xdd: {  	_ =	swait.ge [sflag:s25], $0x800  }
0xde: {  	[sflag:s25] =	ssyncset.done $0x0  }
0xdf: {  	[sflag:s25] =	ssyncadd.s32 $0xFFFFF800  }
0xe0: {  	[spmem:s4] =	stream.indirect.scatter.add.f32 [tilespmem:s15], [sflag:$0xB], $0x10, s10, s16, $0xb8;
	[tilespmem:$0x19FA0] =	vst v63  }
0xe1: {  	_ =	swait.ge [sflag:s13], $0x100  }
0xe2: {  	[sflag:s13] =	ssyncset.done $0x0  }
0xe3: {  	[sflag:s13] =	ssyncadd.s32 $0xFFFFFF00  }
0xe4: {  	_ =	swait.ge [sflag:s2], $0x2000  }
0xe5: {  	[sflag:s2] =	ssyncset.done $0x0  }
0xe6: {  	[sflag:s2] =	ssyncadd.s32 $0xFFFFE000  }
0xe7: {  	_ =	swait.ge [sflag:s29], $0x2000  }
0xe8: {  	[sflag:s29] =	ssyncset.done $0x0  }
0xe9: {  	[sflag:s29] =	ssyncadd.s32 $0xFFFFE000  }
0xea: {  	[bflag:$0x0] =	sbarrier.arrive $0xFFFF  }
0xeb: {  	s24 =	rddreg [dreg:$0xa]  }
0xec: {  	[hbm:s24], [sflag:s9] =	dma.local [spmem:s12], $0x13C0  }
0xed: {  	_ =	swait.ge [sflag:s13], $0x13C0  }
0xee: {  	[sflag:s13] =	ssyncset.done $0x0  }
0xef: {  	s22 =	rddreg [dreg:$0xb];
	[sflag:s13] =	ssyncadd.s32 $0xFFFFEC40  }
0xf0: {  	[hbm:s22], [sflag:s9] =	dma.local [spmem:s14], $0x4F0  }
0xf1: {  	_ =	swait.ge [sflag:s13], $0x4F0  }
0xf2: {  	s11 =	sadd.s32 $0x1, s11;
	s24 =	rddreg [dreg:$0x8]  }
0xf3: {  	p0 =	sne.s32 s11, s24  }
.Ltmp1:
0xf4: {  	_ = 	snop;
	(pc) =	sbr.rel @p0 .LBB2_1-.Ltmp1, $3  }
0xf5: {  	_ =	sdelay $0x1  }
0xf6: {  	[sflag:s13] =	ssyncset.done $0x0  }
0xf7: {  	[sflag:s13] =	ssyncadd.s32 $0xFFFFFB10  }
0xf8: {  	_ =	sfence.sel $0x180000  }
0xf9: {  	[bflag:$0x0] =	sbarrier.arrive $0xFFFF  }
0xfa: {  	_ =	strace $0x90000047  }
0xfb: {  	s0 =	stileid.u32;
	[bflag:$0x2] =	sbarrier.arrive $0xFFFF  }
0xfc: {  	p0 =	sne.s32 s0, $0x0;
	s0 =	rddreg [dreg:$0x4]  }
0xfd: {  	s0 =	sadd.s32 @!p0 $0x100000, s0  }
0xfe: {  	[sflag:s0] =	ssyncadd.tile.s32 @!p0 $0x1;
	_ =	shalt  }
.Lfunc_end2:
_tile_overlayer_lowered:
.L_overlay_start_2:
0xff: {  	(tag) =	ssettag $0x2  }
0x100: {  	s0 =	rddreg [dreg:$0x0];
	s2 =	stileid.u32  }
0x101: {  	s1 =	rddreg [dreg:$0x1];
	p0 =	sne.s32 s2, $0x0  }
0x102: {  	s3 =	rddreg [dreg:$0x2];
	[bflag:$0x3] =	sbarrier.arrive $0xFFFF;
	s2 =	simm.s32 @!p0 $0x1C0B  }
0x103: {  	[timem:s3], [sflag:s2] =	dma.local @!p0 [hbm:s0], s1  }
0x104: {  	s0 =	simm.s32 @!p0 $0xB  }
0x105: {  	_ =	swait.ge @!p0 [sflag:s0], s1  }
0x106: {  	s1 =	ssub.s32 @!p0 $0x0, s1;
	[sflag:s0] =	ssyncset.done @!p0 $0x0  }
0x107: {  	[sflag:s0] =	ssyncadd.s32 @!p0 s1  }
0x108: {  	[bflag:$0x3] =	sbarrier.arrive $0xFFFF  }
0x109: {  	_ =	shalt  }

</sc_bundles>
